<compile_context>
chip_gen: v7x
topology: tpu7x:2x2x1
jax: 0.10.2.dev20260603
libtpu: 0.0.44.dev20260713+nightly
codegen_flags: <defaults>
</compile_context>

<pallas_src>
import jax
import jax.numpy as jnp
from jax import lax
from jax.experimental import pallas as pl
from jax.experimental.pallas import tpu as pltpu
from jax.experimental.pallas import tpu_sc as plsc

N = 10000
E = 320000
D = 128
NC, NS = 2, 16
TILES = NC * NS
BLK = 80
BPT = 125
NACC = 10240
ROWS_PER_TILE = NACC // NS
RCHUNK = 128


def _sc_mesh():
    return plsc.VectorSubcoreMesh(core_axis_name="c", subcore_axis_name="s")


def _deg_kernel_body(dst_hbm, out_hbm, hist_v, idx_v):
    c = lax.axis_index("c")
    s = lax.axis_index("s")
    wid = c * NS + s

    pltpu.sync_copy(dst_hbm.at[wid], idx_v)

    @pl.loop(0, N // 16)
    def _(i):
        hist_v[pl.ds(i * 16, 16)] = jnp.zeros((16,), jnp.float32)

    @pl.loop(0, BPT)
    def _(b):
        for j in range(BLK // 16):
            idx = idx_v[b, pl.ds(j * 16, 16)]
            cnt, last = plsc.scan_count(idx)
            plsc.addupdate_scatter(hist_v, [idx], cnt.astype(jnp.float32),
                                   mask=last)

    pltpu.sync_copy(hist_v, out_hbm.at[pl.ds(wid * N, N)])


def _deg(dst3):
    fn = pl.kernel(
        _deg_kernel_body,
        out_type=jax.ShapeDtypeStruct((TILES * N,), jnp.float32),
        mesh=_sc_mesh(),
        compiler_params=pltpu.CompilerParams(needs_layout_passes=False),
        scratch_types=[
            pltpu.VMEM((N,), jnp.float32),
            pltpu.VMEM((BPT, BLK), jnp.int32),
        ],
    )
    return fn(dst3)


def _agg_kernel_body(g_hbm, src_hbm, dst_hbm, zeros_hbm, out_hbm,
                     acc, sidx, didx, rows0, sem0, sems):
    c = lax.axis_index("c")
    s = lax.axis_index("s")
    wid = c * NS + s
    row0 = s * ROWS_PER_TILE

    pltpu.sync_copy(src_hbm.at[pl.ds(wid * BPT, BPT)], sidx)
    pltpu.sync_copy(dst_hbm.at[pl.ds(wid * BPT, BPT)], didx)

    @pl.when(c == 0)
    def _():
        @pl.loop(0, ROWS_PER_TILE // RCHUNK)
        def _(k):
            pltpu.sync_copy(g_hbm.at[pl.ds(row0 + k * RCHUNK, RCHUNK)],
                            rows0.at[pl.ds(0, RCHUNK)])
            pltpu.sync_copy(rows0.at[pl.ds(0, RCHUNK)],
                            acc.at[pl.ds(row0 + k * RCHUNK, RCHUNK)])

    @pl.when(c == 1)
    def _():
        pltpu.sync_copy(zeros_hbm, rows0.at[pl.ds(0, RCHUNK)])

        @pl.loop(0, ROWS_PER_TILE // RCHUNK)
        def _(k):
            pltpu.sync_copy(rows0.at[pl.ds(0, RCHUNK)],
                            acc.at[pl.ds(row0 + k * RCHUNK, RCHUNK)])

    plsc.subcore_barrier()

    @pl.loop(0, BPT)
    def _(b):
        slot = lax.rem(b, 2)
        cur = slot * BLK

        del slot
        pltpu.async_copy(g_hbm.at[sidx.at[b]], rows0.at[pl.ds(cur, BLK)],
                         sem0).wait()
        pltpu.sync_copy(rows0.at[pl.ds(cur, BLK)], acc.at[didx.at[b]],
                        add=True)

    plsc.subcore_barrier()

    @pl.loop(0, ROWS_PER_TILE // RCHUNK)
    def _(k):
        pltpu.sync_copy(acc.at[pl.ds(row0 + k * RCHUNK, RCHUNK)],
                        rows0.at[pl.ds(0, RCHUNK)])
        pltpu.sync_copy(rows0.at[pl.ds(0, RCHUNK)],
                        out_hbm.at[pl.ds(c * NACC + row0 + k * RCHUNK, RCHUNK)])


def _agg(g, src3, dst3, zeros_tile):
    fn = pl.kernel(
        _agg_kernel_body,
        out_type=jax.ShapeDtypeStruct((NC * NACC, D), jnp.float32),
        mesh=_sc_mesh(),
        compiler_params=pltpu.CompilerParams(use_tc_tiling_on_sc=False),
        scratch_types=[
            pltpu.VMEM_SHARED((NACC, D), jnp.float32),
            pltpu.VMEM((BPT, BLK), jnp.int32),
            pltpu.VMEM((BPT, BLK), jnp.int32),
            pltpu.VMEM((2 * BLK, D), jnp.float32),
            pltpu.SemaphoreType.DMA,
            pltpu.SemaphoreType.DMA((2,)),
        ],
    )
    return fn(g, src3.reshape(TILES * BPT, BLK), dst3.reshape(TILES * BPT, BLK), zeros_tile)


def _dinv_from(degp_ref):
    deg = jnp.sum(degp_ref[...], axis=0) + 1.0
    dinv = lax.rsqrt(deg)
    return dinv.reshape(N, 1)


def _tc1_body(x_ref, w_ref, degp_ref, o_ref):
    dinv = _dinv_from(degp_ref)
    h = jnp.dot(x_ref[...], w_ref[...], preferred_element_type=jnp.float32)
    o_ref[0:N, :] = h * dinv
    o_ref[N:NACC, :] = jnp.zeros((NACC - N, D), jnp.float32)


def _tc2_body(p_ref, degp_ref, b_ref, w_ref, o_ref):
    dinv = _dinv_from(degp_ref)
    agg = p_ref[0:N, :] + p_ref[NACC:NACC + N, :]
    a = agg * dinv + b_ref[...]
    r = jnp.maximum(a, 0.0)
    h = jnp.dot(r, w_ref[...], preferred_element_type=jnp.float32)
    o_ref[0:N, :] = h * dinv
    o_ref[N:NACC, :] = jnp.zeros((NACC - N, D), jnp.float32)


def _tc3_body(p_ref, degp_ref, b_ref, wh_ref, bh_ref, o_ref):
    dinv = _dinv_from(degp_ref)
    agg = p_ref[0:N, :] + p_ref[NACC:NACC + N, :]
    a = agg * dinv + b_ref[...]
    r = jnp.maximum(a, 0.0)
    out = jnp.dot(r, wh_ref[...], preferred_element_type=jnp.float32) + bh_ref[...]
    o_ref[...] = out


def _tc_call(body, out_shape, *args):
    return pl.pallas_call(body, out_shape=out_shape)(*args)


def kernel(x, edge_index, W1, b1, W2, b2, Wh, bh):
    src = edge_index[0].astype(jnp.int32)
    dst = edge_index[1].astype(jnp.int32)
    src3 = src.reshape(TILES, BPT, BLK)
    dst3 = dst.reshape(TILES, BPT, BLK)

    zeros_tile = jnp.zeros((RCHUNK, D), jnp.float32)

    degp = _deg(dst3).reshape(TILES, N)

    g1 = _tc_call(_tc1_body, jax.ShapeDtypeStruct((NACC, D), jnp.float32),
                  x, W1, degp)
    p1 = _agg(g1, src3, dst3, zeros_tile)
    g2 = _tc_call(_tc2_body, jax.ShapeDtypeStruct((NACC, D), jnp.float32),
                  p1, degp, b1.reshape(1, D), W2)
    p2 = _agg(g2, src3, dst3, zeros_tile)
    out = _tc_call(_tc3_body, jax.ShapeDtypeStruct((N, bh.shape[0]), jnp.float32),
                   p2, degp, b2.reshape(1, D), Wh, bh.reshape(1, -1))
    return out

# --- scband reference (transcript-rebuilt; emitter-appended) ---
"""Pipeline reference for scband-public-node-encoder-11596411699547 (READ-ONLY COPY).

The authoritative reference and input builder live on the scoring server;
editing this copy changes nothing except your own understanding.
"""

import jax, jax.numpy as jnp
import numpy as np

N_NODES = 10000
N_EDGES = 320000
D_IN = 128
D_HID = 128
D_OUT = 128
N_CLASSES = 40


def setup_inputs(seed: int = 0) -> dict:
    key = jax.random.key(seed)
    ks = jax.random.split(key, 8)
    x = jax.random.normal(ks[0], (N_NODES, D_IN), dtype=jnp.float32)
    edge_index = jax.random.randint(ks[1], (2, N_EDGES), 0, N_NODES, dtype=jnp.int64)
    s1 = 1.0 / np.sqrt(D_IN)
    s2 = 1.0 / np.sqrt(D_HID)
    s3 = 1.0 / np.sqrt(D_OUT)
    W1 = jax.random.uniform(ks[2], (D_IN, D_HID), dtype=jnp.float32, minval=-s1, maxval=s1)
    b1 = jnp.zeros((D_HID,), dtype=jnp.float32)
    W2 = jax.random.uniform(ks[3], (D_HID, D_OUT), dtype=jnp.float32, minval=-s2, maxval=s2)
    b2 = jnp.zeros((D_OUT,), dtype=jnp.float32)
    Wh = jax.random.uniform(ks[4], (D_OUT, N_CLASSES), dtype=jnp.float32, minval=-s3, maxval=s3)
    bh = jax.random.uniform(ks[5], (N_CLASSES,), dtype=jnp.float32, minval=-s3, maxval=s3)
    return {"x": x, "edge_index": edge_index, "W1": W1, "b1": b1, "W2": W2, "b2": b2, "Wh": Wh, "bh": bh}


def _gcn_conv(x, src, dst, norm, W, b, n_nodes):
    h = x @ W
    msg = h[src] * norm[:, None]
    out = jnp.zeros((n_nodes, h.shape[1]), dtype=h.dtype).at[dst].add(msg)
    return out + b


def reference(x, edge_index, W1, b1, W2, b2, Wh, bh):
    n = x.shape[0]
    self_loops = jnp.arange(n, dtype=edge_index.dtype)
    src = jnp.concatenate([edge_index[0], self_loops])
    dst = jnp.concatenate([edge_index[1], self_loops])
    deg = jnp.zeros((n,), dtype=jnp.float32).at[dst].add(1.0)
    dinv = jnp.where(deg > 0, 1.0 / jnp.sqrt(deg), 0.0)
    norm = dinv[src] * dinv[dst]
    # dropout p=0.0 / eval mode -> identity
    h = _gcn_conv(x, src, dst, norm, W1, b1, n)
    h = jax.nn.relu(h)
    h = _gcn_conv(h, src, dst, norm, W2, b2, n)
    h = jax.nn.relu(h)
    return h @ Wh + bh

if __name__ == "__main__":
    import jax
    _d = setup_inputs()
    print(jax.jit(kernel)(*tuple(_d.values())))

</pallas_src>

<mosaic_0001>
#map = affine_map<(d0, d1) -> (0, 0)>
module attributes {stable_mosaic.version = 14 : i64} {
  func.func @_agg_kernel_body(%arg0: i32, %arg1: i32, %arg2: memref<10240x128xf32, #tpu.memory_space<hbm>>, %arg3: memref<4000x80xi32, #tpu.memory_space<hbm>>, %arg4: memref<4000x80xi32, #tpu.memory_space<hbm>>, %arg5: memref<128x128xf32, #tpu.memory_space<hbm>>, %arg6: memref<20480x128xf32, #tpu.memory_space<hbm>>, %arg7: memref<10240x128xf32, #tpu.memory_space<vmem_shared>>, %arg8: memref<125x80xi32, #tpu.memory_space<vmem>>, %arg9: memref<125x80xi32, #tpu.memory_space<vmem>>, %arg10: memref<160x128xf32, #tpu.memory_space<vmem>>, %arg11: memref<!tpu.dma_semaphore, #tpu.memory_space<semaphore_mem>>, %arg12: memref<2x!tpu.dma_semaphore, #tpu.memory_space<semaphore_mem>>) attributes {dimension_semantics = [#tpu.dimension_semantics<core_parallel>, #tpu.dimension_semantics<subcore_parallel>], iteration_bounds = array<i64: 2, 16>, scalar_prefetch = 0 : i64, scratch_operands = 6 : i64, tpu.core_type = #tpu.core_type<sc_vector_subcore>, window_params = [{transform_indices = #map}, {transform_indices = #map}, {transform_indices = #map}, {transform_indices = #map}, {transform_indices = #map}]} {
    %mul3A = arith.constant 16 : i32
    %mul3A_0 = arith.muli %arg0, %mul3A : i32
    %add3A = arith.addi %mul3A_0, %arg1 : i32
    %mul3A_1 = arith.constant 640 : i32
    %mul3A_2 = arith.muli %arg1, %mul3A_1 : i32
    %mul3A_3 = arith.constant 125 : i32
    %mul3A_4 = arith.muli %add3A, %mul3A_3 : i32
    "tpu.region"() ({
      %run_scoped3A = tpu.sem_alloc : memref<!tpu.dma_semaphore, #tpu.memory_space<semaphore_mem>>
      %dma_start3A = arith.constant 0 : i32
      %dma_start3A_24 = tpu.memref_slice %arg3[%mul3A_4, %dma_start3A] : memref<4000x80xi32, #tpu.memory_space<hbm>> -> memref<125x80xi32, #tpu.memory_space<hbm>>
      %dma_start3A_25 = arith.constant 0 : i32
      %dma_start3A_26 = tpu.memref_slice %arg3[%mul3A_4, %dma_start3A_25] : memref<4000x80xi32, #tpu.memory_space<hbm>> -> memref<125x80xi32, #tpu.memory_space<hbm>>
      tpu.enqueue_dma source(%dma_start3A_26 : memref<125x80xi32, #tpu.memory_space<hbm>>) target(%arg8 : memref<125x80xi32, #tpu.memory_space<vmem>>) target_semaphore(%run_scoped3A : memref<!tpu.dma_semaphore, #tpu.memory_space<semaphore_mem>>)
      %dma_wait3A = arith.constant 0 : i32
      %dma_wait3A_27 = tpu.memref_slice %arg3[%mul3A_4, %dma_wait3A] : memref<4000x80xi32, #tpu.memory_space<hbm>> -> memref<125x80xi32, #tpu.memory_space<hbm>>
      %dma_wait3A_28 = arith.constant 0 : i32
      %dma_wait3A_29 = tpu.memref_slice %arg3[%mul3A_4, %dma_wait3A_28] : memref<4000x80xi32, #tpu.memory_space<hbm>> -> memref<125x80xi32, #tpu.memory_space<hbm>>
      tpu.wait_dma2 semaphore(%run_scoped3A : memref<!tpu.dma_semaphore, #tpu.memory_space<semaphore_mem>>) src(%dma_wait3A_29 : memref<125x80xi32, #tpu.memory_space<hbm>>) dst(%arg8 : memref<125x80xi32, #tpu.memory_space<vmem>>)
      tpu.yield
    }) : () -> ()
    %mul3A_5 = arith.constant 125 : i32
    %mul3A_6 = arith.muli %add3A, %mul3A_5 : i32
    "tpu.region"() ({
      %run_scoped3A = tpu.sem_alloc : memref<!tpu.dma_semaphore, #tpu.memory_space<semaphore_mem>>
      %dma_start3A = arith.constant 0 : i32
      %dma_start3A_24 = tpu.memref_slice %arg4[%mul3A_6, %dma_start3A] : memref<4000x80xi32, #tpu.memory_space<hbm>> -> memref<125x80xi32, #tpu.memory_space<hbm>>
      %dma_start3A_25 = arith.constant 0 : i32
      %dma_start3A_26 = tpu.memref_slice %arg4[%mul3A_6, %dma_start3A_25] : memref<4000x80xi32, #tpu.memory_space<hbm>> -> memref<125x80xi32, #tpu.memory_space<hbm>>
      tpu.enqueue_dma source(%dma_start3A_26 : memref<125x80xi32, #tpu.memory_space<hbm>>) target(%arg9 : memref<125x80xi32, #tpu.memory_space<vmem>>) target_semaphore(%run_scoped3A : memref<!tpu.dma_semaphore, #tpu.memory_space<semaphore_mem>>)
      %dma_wait3A = arith.constant 0 : i32
      %dma_wait3A_27 = tpu.memref_slice %arg4[%mul3A_6, %dma_wait3A] : memref<4000x80xi32, #tpu.memory_space<hbm>> -> memref<125x80xi32, #tpu.memory_space<hbm>>
      %dma_wait3A_28 = arith.constant 0 : i32
      %dma_wait3A_29 = tpu.memref_slice %arg4[%mul3A_6, %dma_wait3A_28] : memref<4000x80xi32, #tpu.memory_space<hbm>> -> memref<125x80xi32, #tpu.memory_space<hbm>>
      tpu.wait_dma2 semaphore(%run_scoped3A : memref<!tpu.dma_semaphore, #tpu.memory_space<semaphore_mem>>) src(%dma_wait3A_29 : memref<125x80xi32, #tpu.memory_space<hbm>>) dst(%arg9 : memref<125x80xi32, #tpu.memory_space<vmem>>)
      tpu.yield
    }) : () -> ()
    %eq3A = arith.constant 0 : i32
    %eq3A_7 = arith.cmpi eq, %arg0, %eq3A : i32
    %convert_element_type3A = arith.extui %eq3A_7 : i1 to i32
    %cond3A = arith.constant 0 : i32
    %cond3A_8 = arith.cmpi ne, %convert_element_type3A, %cond3A : i32
    scf.if %cond3A_8 {
      %scan3A_24 = arith.constant 0 : i32
      %scan3A_25 = arith.constant 5 : i32
      %scan3A_26 = arith.addi %scan3A_24, %scan3A_25 : i32
      %scan3A_27 = arith.constant 1 : i32
      scf.for %scan3A_29 = %scan3A_24 to %scan3A_26 step %scan3A_27  : i32 {
        %mul3A_30 = arith.constant 1 : i32
        %mul3A_31 = arith.muli %scan3A_29, %mul3A_30 : i32
        %add3A_32 = arith.constant 0 : i32
        %add3A_33 = arith.addi %add3A_32, %mul3A_31 : i32
        %mul3A_34 = arith.constant 128 : i32
        %mul3A_35 = arith.muli %add3A_33, %mul3A_34 : i32
        %add3A_36 = arith.addi %mul3A_2, %mul3A_35 : i32
        "tpu.region"() ({
          %run_scoped3A = tpu.sem_alloc : memref<!tpu.dma_semaphore, #tpu.memory_space<semaphore_mem>>
          %dma_start3A = arith.constant 0 : i32
          %dma_start3A_40 = arith.constant 0 : i32
          %dma_start3A_41 = tpu.memref_slice %arg10[%dma_start3A, %dma_start3A_40] : memref<160x128xf32, #tpu.memory_space<vmem>> -> memref<128x128xf32, #tpu.memory_space<vmem>>
          %dma_start3A_42 = arith.constant 0 : i32
          %dma_start3A_43 = tpu.memref_slice %arg2[%add3A_36, %dma_start3A_42] : memref<10240x128xf32, #tpu.memory_space<hbm>> -> memref<128x128xf32, #tpu.memory_space<hbm>>
          %dma_start3A_44 = arith.constant 0 : i32
          %dma_start3A_45 = arith.constant 0 : i32
          %dma_start3A_46 = tpu.memref_slice %arg10[%dma_start3A_44, %dma_start3A_45] : memref<160x128xf32, #tpu.memory_space<vmem>> -> memref<128x128xf32, #tpu.memory_space<vmem>>
          %dma_start3A_47 = arith.constant 0 : i32
          %dma_start3A_48 = tpu.memref_slice %arg2[%add3A_36, %dma_start3A_47] : memref<10240x128xf32, #tpu.memory_space<hbm>> -> memref<128x128xf32, #tpu.memory_space<hbm>>
          tpu.enqueue_dma source(%dma_start3A_48 : memref<128x128xf32, #tpu.memory_space<hbm>>) target(%dma_start3A_46 : memref<128x128xf32, #tpu.memory_space<vmem>>) target_semaphore(%run_scoped3A : memref<!tpu.dma_semaphore, #tpu.memory_space<semaphore_mem>>)
          %dma_wait3A = arith.constant 0 : i32
          %dma_wait3A_49 = arith.constant 0 : i32
          %dma_wait3A_50 = tpu.memref_slice %arg10[%dma_wait3A, %dma_wait3A_49] : memref<160x128xf32, #tpu.memory_space<vmem>> -> memref<128x128xf32, #tpu.memory_space<vmem>>
          %dma_wait3A_51 = arith.constant 0 : i32
          %dma_wait3A_52 = tpu.memref_slice %arg2[%add3A_36, %dma_wait3A_51] : memref<10240x128xf32, #tpu.memory_space<hbm>> -> memref<128x128xf32, #tpu.memory_space<hbm>>
          %dma_wait3A_53 = arith.constant 0 : i32
          %dma_wait3A_54 = arith.constant 0 : i32
          %dma_wait3A_55 = tpu.memref_slice %arg10[%dma_wait3A_53, %dma_wait3A_54] : memref<160x128xf32, #tpu.memory_space<vmem>> -> memref<128x128xf32, #tpu.memory_space<vmem>>
          %dma_wait3A_56 = arith.constant 0 : i32
          %dma_wait3A_57 = tpu.memref_slice %arg2[%add3A_36, %dma_wait3A_56] : memref<10240x128xf32, #tpu.memory_space<hbm>> -> memref<128x128xf32, #tpu.memory_space<hbm>>
          tpu.wait_dma2 semaphore(%run_scoped3A : memref<!tpu.dma_semaphore, #tpu.memory_space<semaphore_mem>>) src(%dma_wait3A_57 : memref<128x128xf32, #tpu.memory_space<hbm>>) dst(%dma_wait3A_55 : memref<128x128xf32, #tpu.memory_space<vmem>>)
          tpu.yield
        }) : () -> ()
        %mul3A_37 = arith.constant 128 : i32
        %mul3A_38 = arith.muli %add3A_33, %mul3A_37 : i32
        %add3A_39 = arith.addi %mul3A_2, %mul3A_38 : i32
        "tpu.region"() ({
          %run_scoped3A = tpu.sem_alloc : memref<!tpu.dma_semaphore, #tpu.memory_space<semaphore_mem>>
          %dma_start3A = arith.constant 0 : i32
          %dma_start3A_40 = arith.constant 0 : i32
          %dma_start3A_41 = tpu.memref_slice %arg10[%dma_start3A, %dma_start3A_40] : memref<160x128xf32, #tpu.memory_space<vmem>> -> memref<128x128xf32, #tpu.memory_space<vmem>>
          %dma_start3A_42 = arith.constant 0 : i32
          %dma_start3A_43 = tpu.memref_slice %arg7[%add3A_39, %dma_start3A_42] : memref<10240x128xf32, #tpu.memory_space<vmem_shared>> -> memref<128x128xf32, #tpu.memory_space<vmem_shared>>
          %dma_start3A_44 = arith.constant 0 : i32
          %dma_start3A_45 = tpu.memref_slice %arg7[%add3A_39, %dma_start3A_44] : memref<10240x128xf32, #tpu.memory_space<vmem_shared>> -> memref<128x128xf32, #tpu.memory_space<vmem_shared>>
          %dma_start3A_46 = arith.constant 0 : i32
          %dma_start3A_47 = arith.constant 0 : i32
          %dma_start3A_48 = tpu.memref_slice %arg10[%dma_start3A_46, %dma_start3A_47] : memref<160x128xf32, #tpu.memory_space<vmem>> -> memref<128x128xf32, #tpu.memory_space<vmem>>
          tpu.enqueue_dma source(%dma_start3A_48 : memref<128x128xf32, #tpu.memory_space<vmem>>) target(%dma_start3A_45 : memref<128x128xf32, #tpu.memory_space<vmem_shared>>) target_semaphore(%run_scoped3A : memref<!tpu.dma_semaphore, #tpu.memory_space<semaphore_mem>>)
          %dma_wait3A = arith.constant 0 : i32
          %dma_wait3A_49 = arith.constant 0 : i32
          %dma_wait3A_50 = tpu.memref_slice %arg10[%dma_wait3A, %dma_wait3A_49] : memref<160x128xf32, #tpu.memory_space<vmem>> -> memref<128x128xf32, #tpu.memory_space<vmem>>
          %dma_wait3A_51 = arith.constant 0 : i32
          %dma_wait3A_52 = tpu.memref_slice %arg7[%add3A_39, %dma_wait3A_51] : memref<10240x128xf32, #tpu.memory_space<vmem_shared>> -> memref<128x128xf32, #tpu.memory_space<vmem_shared>>
          %dma_wait3A_53 = arith.constant 0 : i32
          %dma_wait3A_54 = tpu.memref_slice %arg7[%add3A_39, %dma_wait3A_53] : memref<10240x128xf32, #tpu.memory_space<vmem_shared>> -> memref<128x128xf32, #tpu.memory_space<vmem_shared>>
          %dma_wait3A_55 = arith.constant 0 : i32
          %dma_wait3A_56 = arith.constant 0 : i32
          %dma_wait3A_57 = tpu.memref_slice %arg10[%dma_wait3A_55, %dma_wait3A_56] : memref<160x128xf32, #tpu.memory_space<vmem>> -> memref<128x128xf32, #tpu.memory_space<vmem>>
          tpu.wait_dma2 semaphore(%run_scoped3A : memref<!tpu.dma_semaphore, #tpu.memory_space<semaphore_mem>>) src(%dma_wait3A_57 : memref<128x128xf32, #tpu.memory_space<vmem>>) dst(%dma_wait3A_54 : memref<128x128xf32, #tpu.memory_space<vmem_shared>>)
          tpu.yield
        }) : () -> ()
      }
      %scan3A_28 = arith.constant 5 : i32
    } else {
    }
    %eq3A_9 = arith.constant 1 : i32
    %eq3A_10 = arith.cmpi eq, %arg0, %eq3A_9 : i32
    %convert_element_type3A_11 = arith.extui %eq3A_10 : i1 to i32
    %cond3A_12 = arith.constant 0 : i32
    %cond3A_13 = arith.cmpi ne, %convert_element_type3A_11, %cond3A_12 : i32
    scf.if %cond3A_13 {
      "tpu.region"() ({
        %run_scoped3A = tpu.sem_alloc : memref<!tpu.dma_semaphore, #tpu.memory_space<semaphore_mem>>
        %dma_start3A = arith.constant 0 : i32
        %dma_start3A_29 = arith.constant 0 : i32
        %dma_start3A_30 = tpu.memref_slice %arg10[%dma_start3A, %dma_start3A_29] : memref<160x128xf32, #tpu.memory_space<vmem>> -> memref<128x128xf32, #tpu.memory_space<vmem>>
        %dma_start3A_31 = arith.constant 0 : i32
        %dma_start3A_32 = arith.constant 0 : i32
        %dma_start3A_33 = tpu.memref_slice %arg10[%dma_start3A_31, %dma_start3A_32] : memref<160x128xf32, #tpu.memory_space<vmem>> -> memref<128x128xf32, #tpu.memory_space<vmem>>
        tpu.enqueue_dma source(%arg5 : memref<128x128xf32, #tpu.memory_space<hbm>>) target(%dma_start3A_33 : memref<128x128xf32, #tpu.memory_space<vmem>>) target_semaphore(%run_scoped3A : memref<!tpu.dma_semaphore, #tpu.memory_space<semaphore_mem>>)
        %dma_wait3A = arith.constant 0 : i32
        %dma_wait3A_34 = arith.constant 0 : i32
        %dma_wait3A_35 = tpu.memref_slice %arg10[%dma_wait3A, %dma_wait3A_34] : memref<160x128xf32, #tpu.memory_space<vmem>> -> memref<128x128xf32, #tpu.memory_space<vmem>>
        %dma_wait3A_36 = arith.constant 0 : i32
        %dma_wait3A_37 = arith.constant 0 : i32
        %dma_wait3A_38 = tpu.memref_slice %arg10[%dma_wait3A_36, %dma_wait3A_37] : memref<160x128xf32, #tpu.memory_space<vmem>> -> memref<128x128xf32, #tpu.memory_space<vmem>>
        tpu.wait_dma2 semaphore(%run_scoped3A : memref<!tpu.dma_semaphore, #tpu.memory_space<semaphore_mem>>) src(%arg5 : memref<128x128xf32, #tpu.memory_space<hbm>>) dst(%dma_wait3A_38 : memref<128x128xf32, #tpu.memory_space<vmem>>)
        tpu.yield
      }) : () -> ()
      %scan3A_24 = arith.constant 0 : i32
      %scan3A_25 = arith.constant 5 : i32
      %scan3A_26 = arith.addi %scan3A_24, %scan3A_25 : i32
      %scan3A_27 = arith.constant 1 : i32
      scf.for %scan3A_29 = %scan3A_24 to %scan3A_26 step %scan3A_27  : i32 {
        %mul3A_30 = arith.constant 1 : i32
        %mul3A_31 = arith.muli %scan3A_29, %mul3A_30 : i32
        %add3A_32 = arith.constant 0 : i32
        %add3A_33 = arith.addi %add3A_32, %mul3A_31 : i32
        %mul3A_34 = arith.constant 128 : i32
        %mul3A_35 = arith.muli %add3A_33, %mul3A_34 : i32
        %add3A_36 = arith.addi %mul3A_2, %mul3A_35 : i32
        "tpu.region"() ({
          %run_scoped3A = tpu.sem_alloc : memref<!tpu.dma_semaphore, #tpu.memory_space<semaphore_mem>>
          %dma_start3A = arith.constant 0 : i32
          %dma_start3A_37 = arith.constant 0 : i32
          %dma_start3A_38 = tpu.memref_slice %arg10[%dma_start3A, %dma_start3A_37] : memref<160x128xf32, #tpu.memory_space<vmem>> -> memref<128x128xf32, #tpu.memory_space<vmem>>
          %dma_start3A_39 = arith.constant 0 : i32
          %dma_start3A_40 = tpu.memref_slice %arg7[%add3A_36, %dma_start3A_39] : memref<10240x128xf32, #tpu.memory_space<vmem_shared>> -> memref<128x128xf32, #tpu.memory_space<vmem_shared>>
          %dma_start3A_41 = arith.constant 0 : i32
          %dma_start3A_42 = tpu.memref_slice %arg7[%add3A_36, %dma_start3A_41] : memref<10240x128xf32, #tpu.memory_space<vmem_shared>> -> memref<128x128xf32, #tpu.memory_space<vmem_shared>>
          %dma_start3A_43 = arith.constant 0 : i32
          %dma_start3A_44 = arith.constant 0 : i32
          %dma_start3A_45 = tpu.memref_slice %arg10[%dma_start3A_43, %dma_start3A_44] : memref<160x128xf32, #tpu.memory_space<vmem>> -> memref<128x128xf32, #tpu.memory_space<vmem>>
          tpu.enqueue_dma source(%dma_start3A_45 : memref<128x128xf32, #tpu.memory_space<vmem>>) target(%dma_start3A_42 : memref<128x128xf32, #tpu.memory_space<vmem_shared>>) target_semaphore(%run_scoped3A : memref<!tpu.dma_semaphore, #tpu.memory_space<semaphore_mem>>)
          %dma_wait3A = arith.constant 0 : i32
          %dma_wait3A_46 = arith.constant 0 : i32
          %dma_wait3A_47 = tpu.memref_slice %arg10[%dma_wait3A, %dma_wait3A_46] : memref<160x128xf32, #tpu.memory_space<vmem>> -> memref<128x128xf32, #tpu.memory_space<vmem>>
          %dma_wait3A_48 = arith.constant 0 : i32
          %dma_wait3A_49 = tpu.memref_slice %arg7[%add3A_36, %dma_wait3A_48] : memref<10240x128xf32, #tpu.memory_space<vmem_shared>> -> memref<128x128xf32, #tpu.memory_space<vmem_shared>>
          %dma_wait3A_50 = arith.constant 0 : i32
          %dma_wait3A_51 = tpu.memref_slice %arg7[%add3A_36, %dma_wait3A_50] : memref<10240x128xf32, #tpu.memory_space<vmem_shared>> -> memref<128x128xf32, #tpu.memory_space<vmem_shared>>
          %dma_wait3A_52 = arith.constant 0 : i32
          %dma_wait3A_53 = arith.constant 0 : i32
          %dma_wait3A_54 = tpu.memref_slice %arg10[%dma_wait3A_52, %dma_wait3A_53] : memref<160x128xf32, #tpu.memory_space<vmem>> -> memref<128x128xf32, #tpu.memory_space<vmem>>
          tpu.wait_dma2 semaphore(%run_scoped3A : memref<!tpu.dma_semaphore, #tpu.memory_space<semaphore_mem>>) src(%dma_wait3A_54 : memref<128x128xf32, #tpu.memory_space<vmem>>) dst(%dma_wait3A_51 : memref<128x128xf32, #tpu.memory_space<vmem_shared>>)
          tpu.yield
        }) : () -> ()
      }
      %scan3A_28 = arith.constant 5 : i32
    } else {
    }
    %barrier3A = arith.constant 0 : index
    tpu.barrier barrier_id(%barrier3A)
    %scan3A = arith.constant 0 : i32
    %scan3A_14 = arith.constant 125 : i32
    %scan3A_15 = arith.addi %scan3A, %scan3A_14 : i32
    %scan3A_16 = arith.constant 1 : i32
    scf.for %scan3A_24 = %scan3A to %scan3A_15 step %scan3A_16  : i32 {
      %mul3A_25 = arith.constant 1 : i32
      %mul3A_26 = arith.muli %scan3A_24, %mul3A_25 : i32
      %add3A_27 = arith.constant 0 : i32
      %add3A_28 = arith.addi %add3A_27, %mul3A_26 : i32
      %rem3A = arith.constant 2 : i32
      %rem3A_29 = arith.remsi %add3A_28, %rem3A : i32
      %mul3A_30 = arith.constant 80 : i32
      %mul3A_31 = arith.muli %rem3A_29, %mul3A_30 : i32
      %dma_start3A = arith.constant 0 : i32
      %dma_start3A_32 = tpu.memref_slice %arg10[%mul3A_31, %dma_start3A] : memref<160x128xf32, #tpu.memory_space<vmem>> -> memref<80x128xf32, #tpu.memory_space<vmem>>
      %dma_start3A_33 = arith.constant 0 : i32
      %dma_start3A_34 = tpu.memref_slice %arg8[%add3A_28, %dma_start3A_33] : memref<125x80xi32, #tpu.memory_space<vmem>> -> memref<1x80xi32, #tpu.memory_space<vmem>>
      %dma_start3A_35 = tpu.memref_squeeze %dma_start3A_34 : memref<1x80xi32, #tpu.memory_space<vmem>> -> memref<80xi32, #tpu.memory_space<vmem>>
      %dma_start3A_36 = arith.constant 0 : i32
      %dma_start3A_37 = arith.constant 0 : i32
      %dma_start3A_38 = tpu.memref_slice %arg2[%dma_start3A_36, %dma_start3A_37] : memref<10240x128xf32, #tpu.memory_space<hbm>> -> memref<10240x128xf32, #tpu.memory_space<hbm>>
      tpu.enqueue_indirect_dma source(%dma_start3A_38 : memref<10240x128xf32, #tpu.memory_space<hbm>>) target(%dma_start3A_32 : memref<80x128xf32, #tpu.memory_space<vmem>>) offsets(%dma_start3A_35 : memref<80xi32, #tpu.memory_space<vmem>>) semaphore(%arg11 : memref<!tpu.dma_semaphore, #tpu.memory_space<semaphore_mem>>)
      %dma_wait3A = arith.constant 0 : i32
      %dma_wait3A_39 = tpu.memref_slice %arg10[%mul3A_31, %dma_wait3A] : memref<160x128xf32, #tpu.memory_space<vmem>> -> memref<80x128xf32, #tpu.memory_space<vmem>>
      %dma_wait3A_40 = arith.constant 0 : i32
      %dma_wait3A_41 = tpu.memref_slice %arg8[%add3A_28, %dma_wait3A_40] : memref<125x80xi32, #tpu.memory_space<vmem>> -> memref<1x80xi32, #tpu.memory_space<vmem>>
      %dma_wait3A_42 = tpu.memref_squeeze %dma_wait3A_41 : memref<1x80xi32, #tpu.memory_space<vmem>> -> memref<80xi32, #tpu.memory_space<vmem>>
      %dma_wait3A_43 = arith.constant 0 : i32
      %dma_wait3A_44 = arith.constant 0 : i32
      %dma_wait3A_45 = tpu.memref_slice %arg2[%dma_wait3A_43, %dma_wait3A_44] : memref<10240x128xf32, #tpu.memory_space<hbm>> -> memref<10240x128xf32, #tpu.memory_space<hbm>>
      tpu.wait_indirect_dma semaphore(%arg11 : memref<!tpu.dma_semaphore, #tpu.memory_space<semaphore_mem>>) src(%dma_wait3A_45 : memref<10240x128xf32, #tpu.memory_space<hbm>>) dst(%dma_wait3A_39 : memref<80x128xf32, #tpu.memory_space<vmem>>)
      "tpu.region"() ({
        %run_scoped3A = tpu.sem_alloc : memref<!tpu.dma_semaphore, #tpu.memory_space<semaphore_mem>>
        %dma_start3A_46 = arith.constant 0 : i32
        %dma_start3A_47 = tpu.memref_slice %arg10[%mul3A_31, %dma_start3A_46] : memref<160x128xf32, #tpu.memory_space<vmem>> -> memref<80x128xf32, #tpu.memory_space<vmem>>
        %dma_start3A_48 = arith.constant 0 : i32
        %dma_start3A_49 = tpu.memref_slice %arg9[%add3A_28, %dma_start3A_48] : memref<125x80xi32, #tpu.memory_space<vmem>> -> memref<1x80xi32, #tpu.memory_space<vmem>>
        %dma_start3A_50 = tpu.memref_squeeze %dma_start3A_49 : memref<1x80xi32, #tpu.memory_space<vmem>> -> memref<80xi32, #tpu.memory_space<vmem>>
        %dma_start3A_51 = arith.constant 0 : i32
        %dma_start3A_52 = arith.constant 0 : i32
        %dma_start3A_53 = tpu.memref_slice %arg7[%dma_start3A_51, %dma_start3A_52] : memref<10240x128xf32, #tpu.memory_space<vmem_shared>> -> memref<10240x128xf32, #tpu.memory_space<vmem_shared>>
        tpu.enqueue_indirect_dma source(%dma_start3A_47 : memref<80x128xf32, #tpu.memory_space<vmem>>) target(%dma_start3A_53 : memref<10240x128xf32, #tpu.memory_space<vmem_shared>>) offsets(%dma_start3A_50 : memref<80xi32, #tpu.memory_space<vmem>>) semaphore(%run_scoped3A : memref<!tpu.dma_semaphore, #tpu.memory_space<semaphore_mem>>) {add = true}
        %dma_wait3A_54 = arith.constant 0 : i32
        %dma_wait3A_55 = tpu.memref_slice %arg10[%mul3A_31, %dma_wait3A_54] : memref<160x128xf32, #tpu.memory_space<vmem>> -> memref<80x128xf32, #tpu.memory_space<vmem>>
        %dma_wait3A_56 = arith.constant 0 : i32
        %dma_wait3A_57 = tpu.memref_slice %arg9[%add3A_28, %dma_wait3A_56] : memref<125x80xi32, #tpu.memory_space<vmem>> -> memref<1x80xi32, #tpu.memory_space<vmem>>
        %dma_wait3A_58 = tpu.memref_squeeze %dma_wait3A_57 : memref<1x80xi32, #tpu.memory_space<vmem>> -> memref<80xi32, #tpu.memory_space<vmem>>
        %dma_wait3A_59 = arith.constant 0 : i32
        %dma_wait3A_60 = arith.constant 0 : i32
        %dma_wait3A_61 = tpu.memref_slice %arg7[%dma_wait3A_59, %dma_wait3A_60] : memref<10240x128xf32, #tpu.memory_space<vmem_shared>> -> memref<10240x128xf32, #tpu.memory_space<vmem_shared>>
        tpu.wait_indirect_dma semaphore(%run_scoped3A : memref<!tpu.dma_semaphore, #tpu.memory_space<semaphore_mem>>) src(%dma_wait3A_55 : memref<80x128xf32, #tpu.memory_space<vmem>>) dst(%dma_wait3A_61 : memref<10240x128xf32, #tpu.memory_space<vmem_shared>>)
        tpu.yield
      }) : () -> ()
    }
    %scan3A_17 = arith.constant 125 : i32
    %barrier3A_18 = arith.constant 0 : index
    tpu.barrier barrier_id(%barrier3A_18)
    %scan3A_19 = arith.constant 0 : i32
    %scan3A_20 = arith.constant 5 : i32
    %scan3A_21 = arith.addi %scan3A_19, %scan3A_20 : i32
    %scan3A_22 = arith.constant 1 : i32
    scf.for %scan3A_24 = %scan3A_19 to %scan3A_21 step %scan3A_22  : i32 {
      %mul3A_25 = arith.constant 1 : i32
      %mul3A_26 = arith.muli %scan3A_24, %mul3A_25 : i32
      %add3A_27 = arith.constant 0 : i32
      %add3A_28 = arith.addi %add3A_27, %mul3A_26 : i32
      %mul3A_29 = arith.constant 128 : i32
      %mul3A_30 = arith.muli %add3A_28, %mul3A_29 : i32
      %add3A_31 = arith.addi %mul3A_2, %mul3A_30 : i32
      "tpu.region"() ({
        %run_scoped3A = tpu.sem_alloc : memref<!tpu.dma_semaphore, #tpu.memory_space<semaphore_mem>>
        %dma_start3A = arith.constant 0 : i32
        %dma_start3A_38 = arith.constant 0 : i32
        %dma_start3A_39 = tpu.memref_slice %arg10[%dma_start3A, %dma_start3A_38] : memref<160x128xf32, #tpu.memory_space<vmem>> -> memref<128x128xf32, #tpu.memory_space<vmem>>
        %dma_start3A_40 = arith.constant 0 : i32
        %dma_start3A_41 = tpu.memref_slice %arg7[%add3A_31, %dma_start3A_40] : memref<10240x128xf32, #tpu.memory_space<vmem_shared>> -> memref<128x128xf32, #tpu.memory_space<vmem_shared>>
        %dma_start3A_42 = arith.constant 0 : i32
        %dma_start3A_43 = arith.constant 0 : i32
        %dma_start3A_44 = tpu.memref_slice %arg10[%dma_start3A_42, %dma_start3A_43] : memref<160x128xf32, #tpu.memory_space<vmem>> -> memref<128x128xf32, #tpu.memory_space<vmem>>
        %dma_start3A_45 = arith.constant 0 : i32
        %dma_start3A_46 = tpu.memref_slice %arg7[%add3A_31, %dma_start3A_45] : memref<10240x128xf32, #tpu.memory_space<vmem_shared>> -> memref<128x128xf32, #tpu.memory_space<vmem_shared>>
        tpu.enqueue_dma source(%dma_start3A_46 : memref<128x128xf32, #tpu.memory_space<vmem_shared>>) target(%dma_start3A_44 : memref<128x128xf32, #tpu.memory_space<vmem>>) target_semaphore(%run_scoped3A : memref<!tpu.dma_semaphore, #tpu.memory_space<semaphore_mem>>)
        %dma_wait3A = arith.constant 0 : i32
        %dma_wait3A_47 = arith.constant 0 : i32
        %dma_wait3A_48 = tpu.memref_slice %arg10[%dma_wait3A, %dma_wait3A_47] : memref<160x128xf32, #tpu.memory_space<vmem>> -> memref<128x128xf32, #tpu.memory_space<vmem>>
        %dma_wait3A_49 = arith.constant 0 : i32
        %dma_wait3A_50 = tpu.memref_slice %arg7[%add3A_31, %dma_wait3A_49] : memref<10240x128xf32, #tpu.memory_space<vmem_shared>> -> memref<128x128xf32, #tpu.memory_space<vmem_shared>>
        %dma_wait3A_51 = arith.constant 0 : i32
        %dma_wait3A_52 = arith.constant 0 : i32
        %dma_wait3A_53 = tpu.memref_slice %arg10[%dma_wait3A_51, %dma_wait3A_52] : memref<160x128xf32, #tpu.memory_space<vmem>> -> memref<128x128xf32, #tpu.memory_space<vmem>>
        %dma_wait3A_54 = arith.constant 0 : i32
        %dma_wait3A_55 = tpu.memref_slice %arg7[%add3A_31, %dma_wait3A_54] : memref<10240x128xf32, #tpu.memory_space<vmem_shared>> -> memref<128x128xf32, #tpu.memory_space<vmem_shared>>
        tpu.wait_dma2 semaphore(%run_scoped3A : memref<!tpu.dma_semaphore, #tpu.memory_space<semaphore_mem>>) src(%dma_wait3A_55 : memref<128x128xf32, #tpu.memory_space<vmem_shared>>) dst(%dma_wait3A_53 : memref<128x128xf32, #tpu.memory_space<vmem>>)
        tpu.yield
      }) : () -> ()
      %mul3A_32 = arith.constant 10240 : i32
      %mul3A_33 = arith.muli %arg0, %mul3A_32 : i32
      %add3A_34 = arith.addi %mul3A_33, %mul3A_2 : i32
      %mul3A_35 = arith.constant 128 : i32
      %mul3A_36 = arith.muli %add3A_28, %mul3A_35 : i32
      %add3A_37 = arith.addi %add3A_34, %mul3A_36 : i32
      "tpu.region"() ({
        %run_scoped3A = tpu.sem_alloc : memref<!tpu.dma_semaphore, #tpu.memory_space<semaphore_mem>>
        %dma_start3A = arith.constant 0 : i32
        %dma_start3A_38 = arith.constant 0 : i32
        %dma_start3A_39 = tpu.memref_slice %arg10[%dma_start3A, %dma_start3A_38] : memref<160x128xf32, #tpu.memory_space<vmem>> -> memref<128x128xf32, #tpu.memory_space<vmem>>
        %dma_start3A_40 = arith.constant 0 : i32
        %dma_start3A_41 = tpu.memref_slice %arg6[%add3A_37, %dma_start3A_40] : memref<20480x128xf32, #tpu.memory_space<hbm>> -> memref<128x128xf32, #tpu.memory_space<hbm>>
        %dma_start3A_42 = arith.constant 0 : i32
        %dma_start3A_43 = tpu.memref_slice %arg6[%add3A_37, %dma_start3A_42] : memref<20480x128xf32, #tpu.memory_space<hbm>> -> memref<128x128xf32, #tpu.memory_space<hbm>>
        %dma_start3A_44 = arith.constant 0 : i32
        %dma_start3A_45 = arith.constant 0 : i32
        %dma_start3A_46 = tpu.memref_slice %arg10[%dma_start3A_44, %dma_start3A_45] : memref<160x128xf32, #tpu.memory_space<vmem>> -> memref<128x128xf32, #tpu.memory_space<vmem>>
        tpu.enqueue_dma source(%dma_start3A_46 : memref<128x128xf32, #tpu.memory_space<vmem>>) target(%dma_start3A_43 : memref<128x128xf32, #tpu.memory_space<hbm>>) target_semaphore(%run_scoped3A : memref<!tpu.dma_semaphore, #tpu.memory_space<semaphore_mem>>)
        %dma_wait3A = arith.constant 0 : i32
        %dma_wait3A_47 = arith.constant 0 : i32
        %dma_wait3A_48 = tpu.memref_slice %arg10[%dma_wait3A, %dma_wait3A_47] : memref<160x128xf32, #tpu.memory_space<vmem>> -> memref<128x128xf32, #tpu.memory_space<vmem>>
        %dma_wait3A_49 = arith.constant 0 : i32
        %dma_wait3A_50 = tpu.memref_slice %arg6[%add3A_37, %dma_wait3A_49] : memref<20480x128xf32, #tpu.memory_space<hbm>> -> memref<128x128xf32, #tpu.memory_space<hbm>>
        %dma_wait3A_51 = arith.constant 0 : i32
        %dma_wait3A_52 = tpu.memref_slice %arg6[%add3A_37, %dma_wait3A_51] : memref<20480x128xf32, #tpu.memory_space<hbm>> -> memref<128x128xf32, #tpu.memory_space<hbm>>
        %dma_wait3A_53 = arith.constant 0 : i32
        %dma_wait3A_54 = arith.constant 0 : i32
        %dma_wait3A_55 = tpu.memref_slice %arg10[%dma_wait3A_53, %dma_wait3A_54] : memref<160x128xf32, #tpu.memory_space<vmem>> -> memref<128x128xf32, #tpu.memory_space<vmem>>
        tpu.wait_dma2 semaphore(%run_scoped3A : memref<!tpu.dma_semaphore, #tpu.memory_space<semaphore_mem>>) src(%dma_wait3A_55 : memref<128x128xf32, #tpu.memory_space<vmem>>) dst(%dma_wait3A_52 : memref<128x128xf32, #tpu.memory_space<hbm>>)
        tpu.yield
      }) : () -> ()
    }
    %scan3A_23 = arith.constant 5 : i32
    return
  }
}

#map = affine_map<(d0, d1) -> (0, 0, 0)>
#map1 = affine_map<(d0, d1) -> (0)>
module attributes {stable_mosaic.version = 14 : i64} {
  func.func @_deg_kernel_body(%arg0: i32, %arg1: i32, %arg2: memref<32x125x80xi32, #tpu.memory_space<hbm>>, %arg3: memref<320000xf32, #tpu.memory_space<hbm>>, %arg4: memref<10000xf32, #tpu.memory_space<vmem>>, %arg5: memref<125x80xi32, #tpu.memory_space<vmem>>) attributes {dimension_semantics = [#tpu.dimension_semantics<core_parallel>, #tpu.dimension_semantics<subcore_parallel>], iteration_bounds = array<i64: 2, 16>, scalar_prefetch = 0 : i64, scratch_operands = 2 : i64, tpu.core_type = #tpu.core_type<sc_vector_subcore>, window_params = [{transform_indices = #map}, {transform_indices = #map1}]} {
    %mul3A = arith.constant 16 : i32
    %mul3A_0 = arith.muli %arg0, %mul3A : i32
    %add3A = arith.addi %mul3A_0, %arg1 : i32
    "tpu.region"() ({
      %run_scoped3A = tpu.sem_alloc : memref<!tpu.dma_semaphore, #tpu.memory_space<semaphore_mem>>
      %dma_start3A = arith.constant 0 : i32
      %dma_start3A_12 = arith.constant 0 : i32
      %dma_start3A_13 = tpu.memref_slice %arg2[%add3A, %dma_start3A, %dma_start3A_12] : memref<32x125x80xi32, #tpu.memory_space<hbm>> -> memref<1x125x80xi32, #tpu.memory_space<hbm>>
      %dma_start3A_14 = tpu.memref_squeeze %dma_start3A_13 : memref<1x125x80xi32, #tpu.memory_space<hbm>> -> memref<125x80xi32, #tpu.memory_space<hbm>>
      %dma_start3A_15 = arith.constant 0 : i32
      %dma_start3A_16 = arith.constant 0 : i32
      %dma_start3A_17 = tpu.memref_slice %arg2[%add3A, %dma_start3A_15, %dma_start3A_16] : memref<32x125x80xi32, #tpu.memory_space<hbm>> -> memref<1x125x80xi32, #tpu.memory_space<hbm>>
      %dma_start3A_18 = tpu.memref_squeeze %dma_start3A_17 : memref<1x125x80xi32, #tpu.memory_space<hbm>> -> memref<125x80xi32, #tpu.memory_space<hbm>>
      tpu.enqueue_dma source(%dma_start3A_18 : memref<125x80xi32, #tpu.memory_space<hbm>>) target(%arg5 : memref<125x80xi32, #tpu.memory_space<vmem>>) target_semaphore(%run_scoped3A : memref<!tpu.dma_semaphore, #tpu.memory_space<semaphore_mem>>)
      %dma_wait3A = arith.constant 0 : i32
      %dma_wait3A_19 = arith.constant 0 : i32
      %dma_wait3A_20 = tpu.memref_slice %arg2[%add3A, %dma_wait3A, %dma_wait3A_19] : memref<32x125x80xi32, #tpu.memory_space<hbm>> -> memref<1x125x80xi32, #tpu.memory_space<hbm>>
      %dma_wait3A_21 = tpu.memref_squeeze %dma_wait3A_20 : memref<1x125x80xi32, #tpu.memory_space<hbm>> -> memref<125x80xi32, #tpu.memory_space<hbm>>
      %dma_wait3A_22 = arith.constant 0 : i32
      %dma_wait3A_23 = arith.constant 0 : i32
      %dma_wait3A_24 = tpu.memref_slice %arg2[%add3A, %dma_wait3A_22, %dma_wait3A_23] : memref<32x125x80xi32, #tpu.memory_space<hbm>> -> memref<1x125x80xi32, #tpu.memory_space<hbm>>
      %dma_wait3A_25 = tpu.memref_squeeze %dma_wait3A_24 : memref<1x125x80xi32, #tpu.memory_space<hbm>> -> memref<125x80xi32, #tpu.memory_space<hbm>>
      tpu.wait_dma2 semaphore(%run_scoped3A : memref<!tpu.dma_semaphore, #tpu.memory_space<semaphore_mem>>) src(%dma_wait3A_25 : memref<125x80xi32, #tpu.memory_space<hbm>>) dst(%arg5 : memref<125x80xi32, #tpu.memory_space<vmem>>)
      tpu.yield
    }) : () -> ()
    %scan3A = arith.constant 0 : i32
    %scan3A_1 = arith.constant 625 : i32
    %scan3A_2 = arith.addi %scan3A, %scan3A_1 : i32
    %scan3A_3 = arith.constant 1 : i32
    scf.for %scan3A_12 = %scan3A to %scan3A_2 step %scan3A_3  : i32 {
      %mul3A_13 = arith.constant 1 : i32
      %mul3A_14 = arith.muli %scan3A_12, %mul3A_13 : i32
      %add3A_15 = arith.constant 0 : i32
      %add3A_16 = arith.addi %add3A_15, %mul3A_14 : i32
      %broadcast_in_dim3A = arith.constant 0.000000e+00 : f32
      %broadcast_in_dim3A_17 = vector.broadcast %broadcast_in_dim3A : f32 to vector<16xf32>
      %mul3A_18 = arith.constant 16 : i32
      %mul3A_19 = arith.muli %add3A_16, %mul3A_18 : i32
      %swap3A = arith.index_cast %mul3A_19 : i32 to index
      %swap3A_20 = tpu.vector_load %arg4[%swap3A] {strides = array<i32>} : memref<10000xf32, #tpu.memory_space<vmem>>, vector<16xf32>,
      tpu.vector_store %arg4[%swap3A], %broadcast_in_dim3A_17 {strides = array<i32>} : memref<10000xf32, #tpu.memory_space<vmem>>, vector<16xf32>,
    }
    %scan3A_4 = arith.constant 625 : i32
    %scan3A_5 = arith.constant 0 : i32
    %scan3A_6 = arith.constant 125 : i32
    %scan3A_7 = arith.addi %scan3A_5, %scan3A_6 : i32
    %scan3A_8 = arith.constant 1 : i32
    scf.for %scan3A_12 = %scan3A_5 to %scan3A_7 step %scan3A_8  : i32 {
      %mul3A_13 = arith.constant 1 : i32
      %mul3A_14 = arith.muli %scan3A_12, %mul3A_13 : i32
      %add3A_15 = arith.constant 0 : i32
      %add3A_16 = arith.addi %add3A_15, %mul3A_14 : i32
      %get3A = arith.index_cast %add3A_16 : i32 to index
      %get3A_17 = arith.constant 0 : index
      %get3A_18 = tpu.vector_load %arg5[%get3A, %get3A_17] {strides = array<i32>} : memref<125x80xi32, #tpu.memory_space<vmem>>, vector<16xi32>,
      %broadcast_in_dim3A = arith.constant true
      %broadcast_in_dim3A_19 = vector.broadcast %broadcast_in_dim3A : i1 to vector<16xi1>
      %unique3A, %unique3A_20 = tpu.scan_count mask(%broadcast_in_dim3A_19 : vector<16xi1>) value(%get3A_18 : vector<16xi32>) : vector<16xi1>, vector<16xi32>
      %convert_element_type3A = arith.sitofp %unique3A_20 : vector<16xi32> to vector<16xf32>
      tpu.vector_store_idx %arg4[%get3A_18], %convert_element_type3A masked %unique3A {add = true} : memref<10000xf32, #tpu.memory_space<vmem>>[vector<16xi32>], vector<16xf32>, vector<16xi1>
      %get3A_21 = arith.index_cast %add3A_16 : i32 to index
      %get3A_22 = arith.constant 16 : index
      %get3A_23 = tpu.vector_load %arg5[%get3A_21, %get3A_22] {strides = array<i32>} : memref<125x80xi32, #tpu.memory_space<vmem>>, vector<16xi32>,
      %broadcast_in_dim3A_24 = arith.constant true
      %broadcast_in_dim3A_25 = vector.broadcast %broadcast_in_dim3A_24 : i1 to vector<16xi1>
      %unique3A_26, %unique3A_27 = tpu.scan_count mask(%broadcast_in_dim3A_25 : vector<16xi1>) value(%get3A_23 : vector<16xi32>) : vector<16xi1>, vector<16xi32>
      %convert_element_type3A_28 = arith.sitofp %unique3A_27 : vector<16xi32> to vector<16xf32>
      tpu.vector_store_idx %arg4[%get3A_23], %convert_element_type3A_28 masked %unique3A_26 {add = true} : memref<10000xf32, #tpu.memory_space<vmem>>[vector<16xi32>], vector<16xf32>, vector<16xi1>
      %get3A_29 = arith.index_cast %add3A_16 : i32 to index
      %get3A_30 = arith.constant 32 : index
      %get3A_31 = tpu.vector_load %arg5[%get3A_29, %get3A_30] {strides = array<i32>} : memref<125x80xi32, #tpu.memory_space<vmem>>, vector<16xi32>,
      %broadcast_in_dim3A_32 = arith.constant true
      %broadcast_in_dim3A_33 = vector.broadcast %broadcast_in_dim3A_32 : i1 to vector<16xi1>
      %unique3A_34, %unique3A_35 = tpu.scan_count mask(%broadcast_in_dim3A_33 : vector<16xi1>) value(%get3A_31 : vector<16xi32>) : vector<16xi1>, vector<16xi32>
      %convert_element_type3A_36 = arith.sitofp %unique3A_35 : vector<16xi32> to vector<16xf32>
      tpu.vector_store_idx %arg4[%get3A_31], %convert_element_type3A_36 masked %unique3A_34 {add = true} : memref<10000xf32, #tpu.memory_space<vmem>>[vector<16xi32>], vector<16xf32>, vector<16xi1>
      %get3A_37 = arith.index_cast %add3A_16 : i32 to index
      %get3A_38 = arith.constant 48 : index
      %get3A_39 = tpu.vector_load %arg5[%get3A_37, %get3A_38] {strides = array<i32>} : memref<125x80xi32, #tpu.memory_space<vmem>>, vector<16xi32>,
      %broadcast_in_dim3A_40 = arith.constant true
      %broadcast_in_dim3A_41 = vector.broadcast %broadcast_in_dim3A_40 : i1 to vector<16xi1>
      %unique3A_42, %unique3A_43 = tpu.scan_count mask(%broadcast_in_dim3A_41 : vector<16xi1>) value(%get3A_39 : vector<16xi32>) : vector<16xi1>, vector<16xi32>
      %convert_element_type3A_44 = arith.sitofp %unique3A_43 : vector<16xi32> to vector<16xf32>
      tpu.vector_store_idx %arg4[%get3A_39], %convert_element_type3A_44 masked %unique3A_42 {add = true} : memref<10000xf32, #tpu.memory_space<vmem>>[vector<16xi32>], vector<16xf32>, vector<16xi1>
      %get3A_45 = arith.index_cast %add3A_16 : i32 to index
      %get3A_46 = arith.constant 64 : index
      %get3A_47 = tpu.vector_load %arg5[%get3A_45, %get3A_46] {strides = array<i32>} : memref<125x80xi32, #tpu.memory_space<vmem>>, vector<16xi32>,
      %broadcast_in_dim3A_48 = arith.constant true
      %broadcast_in_dim3A_49 = vector.broadcast %broadcast_in_dim3A_48 : i1 to vector<16xi1>
      %unique3A_50, %unique3A_51 = tpu.scan_count mask(%broadcast_in_dim3A_49 : vector<16xi1>) value(%get3A_47 : vector<16xi32>) : vector<16xi1>, vector<16xi32>
      %convert_element_type3A_52 = arith.sitofp %unique3A_51 : vector<16xi32> to vector<16xf32>
      tpu.vector_store_idx %arg4[%get3A_47], %convert_element_type3A_52 masked %unique3A_50 {add = true} : memref<10000xf32, #tpu.memory_space<vmem>>[vector<16xi32>], vector<16xf32>, vector<16xi1>
    }
    %scan3A_9 = arith.constant 125 : i32
    %mul3A_10 = arith.constant 10000 : i32
    %mul3A_11 = arith.muli %add3A, %mul3A_10 : i32
    "tpu.region"() ({
      %run_scoped3A = tpu.sem_alloc : memref<!tpu.dma_semaphore, #tpu.memory_space<semaphore_mem>>
      %dma_start3A = tpu.memref_slice %arg3[%mul3A_11] : memref<320000xf32, #tpu.memory_space<hbm>> -> memref<10000xf32, #tpu.memory_space<hbm>>
      %dma_start3A_12 = tpu.memref_slice %arg3[%mul3A_11] : memref<320000xf32, #tpu.memory_space<hbm>> -> memref<10000xf32, #tpu.memory_space<hbm>>
      tpu.enqueue_dma source(%arg4 : memref<10000xf32, #tpu.memory_space<vmem>>) target(%dma_start3A_12 : memref<10000xf32, #tpu.memory_space<hbm>>) target_semaphore(%run_scoped3A : memref<!tpu.dma_semaphore, #tpu.memory_space<semaphore_mem>>)
      %dma_wait3A = tpu.memref_slice %arg3[%mul3A_11] : memref<320000xf32, #tpu.memory_space<hbm>> -> memref<10000xf32, #tpu.memory_space<hbm>>
      %dma_wait3A_13 = tpu.memref_slice %arg3[%mul3A_11] : memref<320000xf32, #tpu.memory_space<hbm>> -> memref<10000xf32, #tpu.memory_space<hbm>>
      tpu.wait_dma2 semaphore(%run_scoped3A : memref<!tpu.dma_semaphore, #tpu.memory_space<semaphore_mem>>) src(%arg4 : memref<10000xf32, #tpu.memory_space<vmem>>) dst(%dma_wait3A_13 : memref<10000xf32, #tpu.memory_space<hbm>>)
      tpu.yield
    }) : () -> ()
    return
  }
}

#map = affine_map<(d0, d1) -> (0, 0)>
module attributes {stable_mosaic.version = 14 : i64} {
  func.func @_agg_kernel_body(%arg0: i32, %arg1: i32, %arg2: memref<10240x128xf32, #tpu.memory_space<hbm>>, %arg3: memref<4000x80xi32, #tpu.memory_space<hbm>>, %arg4: memref<4000x80xi32, #tpu.memory_space<hbm>>, %arg5: memref<128x128xf32, #tpu.memory_space<hbm>>, %arg6: memref<20480x128xf32, #tpu.memory_space<hbm>>, %arg7: memref<10240x128xf32, #tpu.memory_space<vmem_shared>>, %arg8: memref<125x80xi32, #tpu.memory_space<vmem>>, %arg9: memref<125x80xi32, #tpu.memory_space<vmem>>, %arg10: memref<160x128xf32, #tpu.memory_space<vmem>>, %arg11: memref<!tpu.dma_semaphore, #tpu.memory_space<semaphore_mem>>, %arg12: memref<2x!tpu.dma_semaphore, #tpu.memory_space<semaphore_mem>>) attributes {dimension_semantics = [#tpu.dimension_semantics<core_parallel>, #tpu.dimension_semantics<subcore_parallel>], iteration_bounds = array<i64: 2, 16>, scalar_prefetch = 0 : i64, scratch_operands = 6 : i64, tpu.core_type = #tpu.core_type<sc_vector_subcore>, window_params = [{transform_indices = #map}, {transform_indices = #map}, {transform_indices = #map}, {transform_indices = #map}, {transform_indices = #map}]} {
    %mul3A = arith.constant 16 : i32
    %mul3A_0 = arith.muli %arg0, %mul3A : i32
    %add3A = arith.addi %mul3A_0, %arg1 : i32
    %mul3A_1 = arith.constant 640 : i32
    %mul3A_2 = arith.muli %arg1, %mul3A_1 : i32
    %mul3A_3 = arith.constant 125 : i32
    %mul3A_4 = arith.muli %add3A, %mul3A_3 : i32
    "tpu.region"() ({
      %run_scoped3A = tpu.sem_alloc : memref<!tpu.dma_semaphore, #tpu.memory_space<semaphore_mem>>
      %dma_start3A = arith.constant 0 : i32
      %dma_start3A_24 = tpu.memref_slice %arg3[%mul3A_4, %dma_start3A] : memref<4000x80xi32, #tpu.memory_space<hbm>> -> memref<125x80xi32, #tpu.memory_space<hbm>>
      %dma_start3A_25 = arith.constant 0 : i32
      %dma_start3A_26 = tpu.memref_slice %arg3[%mul3A_4, %dma_start3A_25] : memref<4000x80xi32, #tpu.memory_space<hbm>> -> memref<125x80xi32, #tpu.memory_space<hbm>>
      tpu.enqueue_dma source(%dma_start3A_26 : memref<125x80xi32, #tpu.memory_space<hbm>>) target(%arg8 : memref<125x80xi32, #tpu.memory_space<vmem>>) target_semaphore(%run_scoped3A : memref<!tpu.dma_semaphore, #tpu.memory_space<semaphore_mem>>)
      %dma_wait3A = arith.constant 0 : i32
      %dma_wait3A_27 = tpu.memref_slice %arg3[%mul3A_4, %dma_wait3A] : memref<4000x80xi32, #tpu.memory_space<hbm>> -> memref<125x80xi32, #tpu.memory_space<hbm>>
      %dma_wait3A_28 = arith.constant 0 : i32
      %dma_wait3A_29 = tpu.memref_slice %arg3[%mul3A_4, %dma_wait3A_28] : memref<4000x80xi32, #tpu.memory_space<hbm>> -> memref<125x80xi32, #tpu.memory_space<hbm>>
      tpu.wait_dma2 semaphore(%run_scoped3A : memref<!tpu.dma_semaphore, #tpu.memory_space<semaphore_mem>>) src(%dma_wait3A_29 : memref<125x80xi32, #tpu.memory_space<hbm>>) dst(%arg8 : memref<125x80xi32, #tpu.memory_space<vmem>>)
      tpu.yield
    }) : () -> ()
    %mul3A_5 = arith.constant 125 : i32
    %mul3A_6 = arith.muli %add3A, %mul3A_5 : i32
    "tpu.region"() ({
      %run_scoped3A = tpu.sem_alloc : memref<!tpu.dma_semaphore, #tpu.memory_space<semaphore_mem>>
      %dma_start3A = arith.constant 0 : i32
      %dma_start3A_24 = tpu.memref_slice %arg4[%mul3A_6, %dma_start3A] : memref<4000x80xi32, #tpu.memory_space<hbm>> -> memref<125x80xi32, #tpu.memory_space<hbm>>
      %dma_start3A_25 = arith.constant 0 : i32
      %dma_start3A_26 = tpu.memref_slice %arg4[%mul3A_6, %dma_start3A_25] : memref<4000x80xi32, #tpu.memory_space<hbm>> -> memref<125x80xi32, #tpu.memory_space<hbm>>
      tpu.enqueue_dma source(%dma_start3A_26 : memref<125x80xi32, #tpu.memory_space<hbm>>) target(%arg9 : memref<125x80xi32, #tpu.memory_space<vmem>>) target_semaphore(%run_scoped3A : memref<!tpu.dma_semaphore, #tpu.memory_space<semaphore_mem>>)
      %dma_wait3A = arith.constant 0 : i32
      %dma_wait3A_27 = tpu.memref_slice %arg4[%mul3A_6, %dma_wait3A] : memref<4000x80xi32, #tpu.memory_space<hbm>> -> memref<125x80xi32, #tpu.memory_space<hbm>>
      %dma_wait3A_28 = arith.constant 0 : i32
      %dma_wait3A_29 = tpu.memref_slice %arg4[%mul3A_6, %dma_wait3A_28] : memref<4000x80xi32, #tpu.memory_space<hbm>> -> memref<125x80xi32, #tpu.memory_space<hbm>>
      tpu.wait_dma2 semaphore(%run_scoped3A : memref<!tpu.dma_semaphore, #tpu.memory_space<semaphore_mem>>) src(%dma_wait3A_29 : memref<125x80xi32, #tpu.memory_space<hbm>>) dst(%arg9 : memref<125x80xi32, #tpu.memory_space<vmem>>)
      tpu.yield
    }) : () -> ()
    %eq3A = arith.constant 0 : i32
    %eq3A_7 = arith.cmpi eq, %arg0, %eq3A : i32
    %convert_element_type3A = arith.extui %eq3A_7 : i1 to i32
    %cond3A = arith.constant 0 : i32
    %cond3A_8 = arith.cmpi ne, %convert_element_type3A, %cond3A : i32
    scf.if %cond3A_8 {
      %scan3A_24 = arith.constant 0 : i32
      %scan3A_25 = arith.constant 5 : i32
      %scan3A_26 = arith.addi %scan3A_24, %scan3A_25 : i32
      %scan3A_27 = arith.constant 1 : i32
      scf.for %scan3A_29 = %scan3A_24 to %scan3A_26 step %scan3A_27  : i32 {
        %mul3A_30 = arith.constant 1 : i32
        %mul3A_31 = arith.muli %scan3A_29, %mul3A_30 : i32
        %add3A_32 = arith.constant 0 : i32
        %add3A_33 = arith.addi %add3A_32, %mul3A_31 : i32
        %mul3A_34 = arith.constant 128 : i32
        %mul3A_35 = arith.muli %add3A_33, %mul3A_34 : i32
        %add3A_36 = arith.addi %mul3A_2, %mul3A_35 : i32
        "tpu.region"() ({
          %run_scoped3A = tpu.sem_alloc : memref<!tpu.dma_semaphore, #tpu.memory_space<semaphore_mem>>
          %dma_start3A = arith.constant 0 : i32
          %dma_start3A_40 = arith.constant 0 : i32
          %dma_start3A_41 = tpu.memref_slice %arg10[%dma_start3A, %dma_start3A_40] : memref<160x128xf32, #tpu.memory_space<vmem>> -> memref<128x128xf32, #tpu.memory_space<vmem>>
          %dma_start3A_42 = arith.constant 0 : i32
          %dma_start3A_43 = tpu.memref_slice %arg2[%add3A_36, %dma_start3A_42] : memref<10240x128xf32, #tpu.memory_space<hbm>> -> memref<128x128xf32, #tpu.memory_space<hbm>>
          %dma_start3A_44 = arith.constant 0 : i32
          %dma_start3A_45 = arith.constant 0 : i32
          %dma_start3A_46 = tpu.memref_slice %arg10[%dma_start3A_44, %dma_start3A_45] : memref<160x128xf32, #tpu.memory_space<vmem>> -> memref<128x128xf32, #tpu.memory_space<vmem>>
          %dma_start3A_47 = arith.constant 0 : i32
          %dma_start3A_48 = tpu.memref_slice %arg2[%add3A_36, %dma_start3A_47] : memref<10240x128xf32, #tpu.memory_space<hbm>> -> memref<128x128xf32, #tpu.memory_space<hbm>>
          tpu.enqueue_dma source(%dma_start3A_48 : memref<128x128xf32, #tpu.memory_space<hbm>>) target(%dma_start3A_46 : memref<128x128xf32, #tpu.memory_space<vmem>>) target_semaphore(%run_scoped3A : memref<!tpu.dma_semaphore, #tpu.memory_space<semaphore_mem>>)
          %dma_wait3A = arith.constant 0 : i32
          %dma_wait3A_49 = arith.constant 0 : i32
          %dma_wait3A_50 = tpu.memref_slice %arg10[%dma_wait3A, %dma_wait3A_49] : memref<160x128xf32, #tpu.memory_space<vmem>> -> memref<128x128xf32, #tpu.memory_space<vmem>>
          %dma_wait3A_51 = arith.constant 0 : i32
          %dma_wait3A_52 = tpu.memref_slice %arg2[%add3A_36, %dma_wait3A_51] : memref<10240x128xf32, #tpu.memory_space<hbm>> -> memref<128x128xf32, #tpu.memory_space<hbm>>
          %dma_wait3A_53 = arith.constant 0 : i32
          %dma_wait3A_54 = arith.constant 0 : i32
          %dma_wait3A_55 = tpu.memref_slice %arg10[%dma_wait3A_53, %dma_wait3A_54] : memref<160x128xf32, #tpu.memory_space<vmem>> -> memref<128x128xf32, #tpu.memory_space<vmem>>
          %dma_wait3A_56 = arith.constant 0 : i32
          %dma_wait3A_57 = tpu.memref_slice %arg2[%add3A_36, %dma_wait3A_56] : memref<10240x128xf32, #tpu.memory_space<hbm>> -> memref<128x128xf32, #tpu.memory_space<hbm>>
          tpu.wait_dma2 semaphore(%run_scoped3A : memref<!tpu.dma_semaphore, #tpu.memory_space<semaphore_mem>>) src(%dma_wait3A_57 : memref<128x128xf32, #tpu.memory_space<hbm>>) dst(%dma_wait3A_55 : memref<128x128xf32, #tpu.memory_space<vmem>>)
          tpu.yield
        }) : () -> ()
        %mul3A_37 = arith.constant 128 : i32
        %mul3A_38 = arith.muli %add3A_33, %mul3A_37 : i32
        %add3A_39 = arith.addi %mul3A_2, %mul3A_38 : i32
        "tpu.region"() ({
          %run_scoped3A = tpu.sem_alloc : memref<!tpu.dma_semaphore, #tpu.memory_space<semaphore_mem>>
          %dma_start3A = arith.constant 0 : i32
          %dma_start3A_40 = arith.constant 0 : i32
          %dma_start3A_41 = tpu.memref_slice %arg10[%dma_start3A, %dma_start3A_40] : memref<160x128xf32, #tpu.memory_space<vmem>> -> memref<128x128xf32, #tpu.memory_space<vmem>>
          %dma_start3A_42 = arith.constant 0 : i32
          %dma_start3A_43 = tpu.memref_slice %arg7[%add3A_39, %dma_start3A_42] : memref<10240x128xf32, #tpu.memory_space<vmem_shared>> -> memref<128x128xf32, #tpu.memory_space<vmem_shared>>
          %dma_start3A_44 = arith.constant 0 : i32
          %dma_start3A_45 = tpu.memref_slice %arg7[%add3A_39, %dma_start3A_44] : memref<10240x128xf32, #tpu.memory_space<vmem_shared>> -> memref<128x128xf32, #tpu.memory_space<vmem_shared>>
          %dma_start3A_46 = arith.constant 0 : i32
          %dma_start3A_47 = arith.constant 0 : i32
          %dma_start3A_48 = tpu.memref_slice %arg10[%dma_start3A_46, %dma_start3A_47] : memref<160x128xf32, #tpu.memory_space<vmem>> -> memref<128x128xf32, #tpu.memory_space<vmem>>
          tpu.enqueue_dma source(%dma_start3A_48 : memref<128x128xf32, #tpu.memory_space<vmem>>) target(%dma_start3A_45 : memref<128x128xf32, #tpu.memory_space<vmem_shared>>) target_semaphore(%run_scoped3A : memref<!tpu.dma_semaphore, #tpu.memory_space<semaphore_mem>>)
          %dma_wait3A = arith.constant 0 : i32
          %dma_wait3A_49 = arith.constant 0 : i32
          %dma_wait3A_50 = tpu.memref_slice %arg10[%dma_wait3A, %dma_wait3A_49] : memref<160x128xf32, #tpu.memory_space<vmem>> -> memref<128x128xf32, #tpu.memory_space<vmem>>
          %dma_wait3A_51 = arith.constant 0 : i32
          %dma_wait3A_52 = tpu.memref_slice %arg7[%add3A_39, %dma_wait3A_51] : memref<10240x128xf32, #tpu.memory_space<vmem_shared>> -> memref<128x128xf32, #tpu.memory_space<vmem_shared>>
          %dma_wait3A_53 = arith.constant 0 : i32
          %dma_wait3A_54 = tpu.memref_slice %arg7[%add3A_39, %dma_wait3A_53] : memref<10240x128xf32, #tpu.memory_space<vmem_shared>> -> memref<128x128xf32, #tpu.memory_space<vmem_shared>>
          %dma_wait3A_55 = arith.constant 0 : i32
          %dma_wait3A_56 = arith.constant 0 : i32
          %dma_wait3A_57 = tpu.memref_slice %arg10[%dma_wait3A_55, %dma_wait3A_56] : memref<160x128xf32, #tpu.memory_space<vmem>> -> memref<128x128xf32, #tpu.memory_space<vmem>>
          tpu.wait_dma2 semaphore(%run_scoped3A : memref<!tpu.dma_semaphore, #tpu.memory_space<semaphore_mem>>) src(%dma_wait3A_57 : memref<128x128xf32, #tpu.memory_space<vmem>>) dst(%dma_wait3A_54 : memref<128x128xf32, #tpu.memory_space<vmem_shared>>)
          tpu.yield
        }) : () -> ()
      }
      %scan3A_28 = arith.constant 5 : i32
    } else {
    }
    %eq3A_9 = arith.constant 1 : i32
    %eq3A_10 = arith.cmpi eq, %arg0, %eq3A_9 : i32
    %convert_element_type3A_11 = arith.extui %eq3A_10 : i1 to i32
    %cond3A_12 = arith.constant 0 : i32
    %cond3A_13 = arith.cmpi ne, %convert_element_type3A_11, %cond3A_12 : i32
    scf.if %cond3A_13 {
      "tpu.region"() ({
        %run_scoped3A = tpu.sem_alloc : memref<!tpu.dma_semaphore, #tpu.memory_space<semaphore_mem>>
        %dma_start3A = arith.constant 0 : i32
        %dma_start3A_29 = arith.constant 0 : i32
        %dma_start3A_30 = tpu.memref_slice %arg10[%dma_start3A, %dma_start3A_29] : memref<160x128xf32, #tpu.memory_space<vmem>> -> memref<128x128xf32, #tpu.memory_space<vmem>>
        %dma_start3A_31 = arith.constant 0 : i32
        %dma_start3A_32 = arith.constant 0 : i32
        %dma_start3A_33 = tpu.memref_slice %arg10[%dma_start3A_31, %dma_start3A_32] : memref<160x128xf32, #tpu.memory_space<vmem>> -> memref<128x128xf32, #tpu.memory_space<vmem>>
        tpu.enqueue_dma source(%arg5 : memref<128x128xf32, #tpu.memory_space<hbm>>) target(%dma_start3A_33 : memref<128x128xf32, #tpu.memory_space<vmem>>) target_semaphore(%run_scoped3A : memref<!tpu.dma_semaphore, #tpu.memory_space<semaphore_mem>>)
        %dma_wait3A = arith.constant 0 : i32
        %dma_wait3A_34 = arith.constant 0 : i32
        %dma_wait3A_35 = tpu.memref_slice %arg10[%dma_wait3A, %dma_wait3A_34] : memref<160x128xf32, #tpu.memory_space<vmem>> -> memref<128x128xf32, #tpu.memory_space<vmem>>
        %dma_wait3A_36 = arith.constant 0 : i32
        %dma_wait3A_37 = arith.constant 0 : i32
        %dma_wait3A_38 = tpu.memref_slice %arg10[%dma_wait3A_36, %dma_wait3A_37] : memref<160x128xf32, #tpu.memory_space<vmem>> -> memref<128x128xf32, #tpu.memory_space<vmem>>
        tpu.wait_dma2 semaphore(%run_scoped3A : memref<!tpu.dma_semaphore, #tpu.memory_space<semaphore_mem>>) src(%arg5 : memref<128x128xf32, #tpu.memory_space<hbm>>) dst(%dma_wait3A_38 : memref<128x128xf32, #tpu.memory_space<vmem>>)
        tpu.yield
      }) : () -> ()
      %scan3A_24 = arith.constant 0 : i32
      %scan3A_25 = arith.constant 5 : i32
      %scan3A_26 = arith.addi %scan3A_24, %scan3A_25 : i32
      %scan3A_27 = arith.constant 1 : i32
      scf.for %scan3A_29 = %scan3A_24 to %scan3A_26 step %scan3A_27  : i32 {
        %mul3A_30 = arith.constant 1 : i32
        %mul3A_31 = arith.muli %scan3A_29, %mul3A_30 : i32
        %add3A_32 = arith.constant 0 : i32
        %add3A_33 = arith.addi %add3A_32, %mul3A_31 : i32
        %mul3A_34 = arith.constant 128 : i32
        %mul3A_35 = arith.muli %add3A_33, %mul3A_34 : i32
        %add3A_36 = arith.addi %mul3A_2, %mul3A_35 : i32
        "tpu.region"() ({
          %run_scoped3A = tpu.sem_alloc : memref<!tpu.dma_semaphore, #tpu.memory_space<semaphore_mem>>
          %dma_start3A = arith.constant 0 : i32
          %dma_start3A_37 = arith.constant 0 : i32
          %dma_start3A_38 = tpu.memref_slice %arg10[%dma_start3A, %dma_start3A_37] : memref<160x128xf32, #tpu.memory_space<vmem>> -> memref<128x128xf32, #tpu.memory_space<vmem>>
          %dma_start3A_39 = arith.constant 0 : i32
          %dma_start3A_40 = tpu.memref_slice %arg7[%add3A_36, %dma_start3A_39] : memref<10240x128xf32, #tpu.memory_space<vmem_shared>> -> memref<128x128xf32, #tpu.memory_space<vmem_shared>>
          %dma_start3A_41 = arith.constant 0 : i32
          %dma_start3A_42 = tpu.memref_slice %arg7[%add3A_36, %dma_start3A_41] : memref<10240x128xf32, #tpu.memory_space<vmem_shared>> -> memref<128x128xf32, #tpu.memory_space<vmem_shared>>
          %dma_start3A_43 = arith.constant 0 : i32
          %dma_start3A_44 = arith.constant 0 : i32
          %dma_start3A_45 = tpu.memref_slice %arg10[%dma_start3A_43, %dma_start3A_44] : memref<160x128xf32, #tpu.memory_space<vmem>> -> memref<128x128xf32, #tpu.memory_space<vmem>>
          tpu.enqueue_dma source(%dma_start3A_45 : memref<128x128xf32, #tpu.memory_space<vmem>>) target(%dma_start3A_42 : memref<128x128xf32, #tpu.memory_space<vmem_shared>>) target_semaphore(%run_scoped3A : memref<!tpu.dma_semaphore, #tpu.memory_space<semaphore_mem>>)
          %dma_wait3A = arith.constant 0 : i32
          %dma_wait3A_46 = arith.constant 0 : i32
          %dma_wait3A_47 = tpu.memref_slice %arg10[%dma_wait3A, %dma_wait3A_46] : memref<160x128xf32, #tpu.memory_space<vmem>> -> memref<128x128xf32, #tpu.memory_space<vmem>>
          %dma_wait3A_48 = arith.constant 0 : i32
          %dma_wait3A_49 = tpu.memref_slice %arg7[%add3A_36, %dma_wait3A_48] : memref<10240x128xf32, #tpu.memory_space<vmem_shared>> -> memref<128x128xf32, #tpu.memory_space<vmem_shared>>
          %dma_wait3A_50 = arith.constant 0 : i32
          %dma_wait3A_51 = tpu.memref_slice %arg7[%add3A_36, %dma_wait3A_50] : memref<10240x128xf32, #tpu.memory_space<vmem_shared>> -> memref<128x128xf32, #tpu.memory_space<vmem_shared>>
          %dma_wait3A_52 = arith.constant 0 : i32
          %dma_wait3A_53 = arith.constant 0 : i32
          %dma_wait3A_54 = tpu.memref_slice %arg10[%dma_wait3A_52, %dma_wait3A_53] : memref<160x128xf32, #tpu.memory_space<vmem>> -> memref<128x128xf32, #tpu.memory_space<vmem>>
          tpu.wait_dma2 semaphore(%run_scoped3A : memref<!tpu.dma_semaphore, #tpu.memory_space<semaphore_mem>>) src(%dma_wait3A_54 : memref<128x128xf32, #tpu.memory_space<vmem>>) dst(%dma_wait3A_51 : memref<128x128xf32, #tpu.memory_space<vmem_shared>>)
          tpu.yield
        }) : () -> ()
      }
      %scan3A_28 = arith.constant 5 : i32
    } else {
    }
    %barrier3A = arith.constant 0 : index
    tpu.barrier barrier_id(%barrier3A)
    %scan3A = arith.constant 0 : i32
    %scan3A_14 = arith.constant 125 : i32
    %scan3A_15 = arith.addi %scan3A, %scan3A_14 : i32
    %scan3A_16 = arith.constant 1 : i32
    scf.for %scan3A_24 = %scan3A to %scan3A_15 step %scan3A_16  : i32 {
      %mul3A_25 = arith.constant 1 : i32
      %mul3A_26 = arith.muli %scan3A_24, %mul3A_25 : i32
      %add3A_27 = arith.constant 0 : i32
      %add3A_28 = arith.addi %add3A_27, %mul3A_26 : i32
      %rem3A = arith.constant 2 : i32
      %rem3A_29 = arith.remsi %add3A_28, %rem3A : i32
      %mul3A_30 = arith.constant 80 : i32
      %mul3A_31 = arith.muli %rem3A_29, %mul3A_30 : i32
      %dma_start3A = arith.constant 0 : i32
      %dma_start3A_32 = tpu.memref_slice %arg10[%mul3A_31, %dma_start3A] : memref<160x128xf32, #tpu.memory_space<vmem>> -> memref<80x128xf32, #tpu.memory_space<vmem>>
      %dma_start3A_33 = arith.constant 0 : i32
      %dma_start3A_34 = tpu.memref_slice %arg8[%add3A_28, %dma_start3A_33] : memref<125x80xi32, #tpu.memory_space<vmem>> -> memref<1x80xi32, #tpu.memory_space<vmem>>
      %dma_start3A_35 = tpu.memref_squeeze %dma_start3A_34 : memref<1x80xi32, #tpu.memory_space<vmem>> -> memref<80xi32, #tpu.memory_space<vmem>>
      %dma_start3A_36 = arith.constant 0 : i32
      %dma_start3A_37 = arith.constant 0 : i32
      %dma_start3A_38 = tpu.memref_slice %arg2[%dma_start3A_36, %dma_start3A_37] : memref<10240x128xf32, #tpu.memory_space<hbm>> -> memref<10240x128xf32, #tpu.memory_space<hbm>>
      tpu.enqueue_indirect_dma source(%dma_start3A_38 : memref<10240x128xf32, #tpu.memory_space<hbm>>) target(%dma_start3A_32 : memref<80x128xf32, #tpu.memory_space<vmem>>) offsets(%dma_start3A_35 : memref<80xi32, #tpu.memory_space<vmem>>) semaphore(%arg11 : memref<!tpu.dma_semaphore, #tpu.memory_space<semaphore_mem>>)
      %dma_wait3A = arith.constant 0 : i32
      %dma_wait3A_39 = tpu.memref_slice %arg10[%mul3A_31, %dma_wait3A] : memref<160x128xf32, #tpu.memory_space<vmem>> -> memref<80x128xf32, #tpu.memory_space<vmem>>
      %dma_wait3A_40 = arith.constant 0 : i32
      %dma_wait3A_41 = tpu.memref_slice %arg8[%add3A_28, %dma_wait3A_40] : memref<125x80xi32, #tpu.memory_space<vmem>> -> memref<1x80xi32, #tpu.memory_space<vmem>>
      %dma_wait3A_42 = tpu.memref_squeeze %dma_wait3A_41 : memref<1x80xi32, #tpu.memory_space<vmem>> -> memref<80xi32, #tpu.memory_space<vmem>>
      %dma_wait3A_43 = arith.constant 0 : i32
      %dma_wait3A_44 = arith.constant 0 : i32
      %dma_wait3A_45 = tpu.memref_slice %arg2[%dma_wait3A_43, %dma_wait3A_44] : memref<10240x128xf32, #tpu.memory_space<hbm>> -> memref<10240x128xf32, #tpu.memory_space<hbm>>
      tpu.wait_indirect_dma semaphore(%arg11 : memref<!tpu.dma_semaphore, #tpu.memory_space<semaphore_mem>>) src(%dma_wait3A_45 : memref<10240x128xf32, #tpu.memory_space<hbm>>) dst(%dma_wait3A_39 : memref<80x128xf32, #tpu.memory_space<vmem>>)
      "tpu.region"() ({
        %run_scoped3A = tpu.sem_alloc : memref<!tpu.dma_semaphore, #tpu.memory_space<semaphore_mem>>
        %dma_start3A_46 = arith.constant 0 : i32
        %dma_start3A_47 = tpu.memref_slice %arg10[%mul3A_31, %dma_start3A_46] : memref<160x128xf32, #tpu.memory_space<vmem>> -> memref<80x128xf32, #tpu.memory_space<vmem>>
        %dma_start3A_48 = arith.constant 0 : i32
        %dma_start3A_49 = tpu.memref_slice %arg9[%add3A_28, %dma_start3A_48] : memref<125x80xi32, #tpu.memory_space<vmem>> -> memref<1x80xi32, #tpu.memory_space<vmem>>
        %dma_start3A_50 = tpu.memref_squeeze %dma_start3A_49 : memref<1x80xi32, #tpu.memory_space<vmem>> -> memref<80xi32, #tpu.memory_space<vmem>>
        %dma_start3A_51 = arith.constant 0 : i32
        %dma_start3A_52 = arith.constant 0 : i32
        %dma_start3A_53 = tpu.memref_slice %arg7[%dma_start3A_51, %dma_start3A_52] : memref<10240x128xf32, #tpu.memory_space<vmem_shared>> -> memref<10240x128xf32, #tpu.memory_space<vmem_shared>>
        tpu.enqueue_indirect_dma source(%dma_start3A_47 : memref<80x128xf32, #tpu.memory_space<vmem>>) target(%dma_start3A_53 : memref<10240x128xf32, #tpu.memory_space<vmem_shared>>) offsets(%dma_start3A_50 : memref<80xi32, #tpu.memory_space<vmem>>) semaphore(%run_scoped3A : memref<!tpu.dma_semaphore, #tpu.memory_space<semaphore_mem>>) {add = true}
        %dma_wait3A_54 = arith.constant 0 : i32
        %dma_wait3A_55 = tpu.memref_slice %arg10[%mul3A_31, %dma_wait3A_54] : memref<160x128xf32, #tpu.memory_space<vmem>> -> memref<80x128xf32, #tpu.memory_space<vmem>>
        %dma_wait3A_56 = arith.constant 0 : i32
        %dma_wait3A_57 = tpu.memref_slice %arg9[%add3A_28, %dma_wait3A_56] : memref<125x80xi32, #tpu.memory_space<vmem>> -> memref<1x80xi32, #tpu.memory_space<vmem>>
        %dma_wait3A_58 = tpu.memref_squeeze %dma_wait3A_57 : memref<1x80xi32, #tpu.memory_space<vmem>> -> memref<80xi32, #tpu.memory_space<vmem>>
        %dma_wait3A_59 = arith.constant 0 : i32
        %dma_wait3A_60 = arith.constant 0 : i32
        %dma_wait3A_61 = tpu.memref_slice %arg7[%dma_wait3A_59, %dma_wait3A_60] : memref<10240x128xf32, #tpu.memory_space<vmem_shared>> -> memref<10240x128xf32, #tpu.memory_space<vmem_shared>>
        tpu.wait_indirect_dma semaphore(%run_scoped3A : memref<!tpu.dma_semaphore, #tpu.memory_space<semaphore_mem>>) src(%dma_wait3A_55 : memref<80x128xf32, #tpu.memory_space<vmem>>) dst(%dma_wait3A_61 : memref<10240x128xf32, #tpu.memory_space<vmem_shared>>)
        tpu.yield
      }) : () -> ()
    }
    %scan3A_17 = arith.constant 125 : i32
    %barrier3A_18 = arith.constant 0 : index
    tpu.barrier barrier_id(%barrier3A_18)
    %scan3A_19 = arith.constant 0 : i32
    %scan3A_20 = arith.constant 5 : i32
    %scan3A_21 = arith.addi %scan3A_19, %scan3A_20 : i32
    %scan3A_22 = arith.constant 1 : i32
    scf.for %scan3A_24 = %scan3A_19 to %scan3A_21 step %scan3A_22  : i32 {
      %mul3A_25 = arith.constant 1 : i32
      %mul3A_26 = arith.muli %scan3A_24, %mul3A_25 : i32
      %add3A_27 = arith.constant 0 : i32
      %add3A_28 = arith.addi %add3A_27, %mul3A_26 : i32
      %mul3A_29 = arith.constant 128 : i32
      %mul3A_30 = arith.muli %add3A_28, %mul3A_29 : i32
      %add3A_31 = arith.addi %mul3A_2, %mul3A_30 : i32
      "tpu.region"() ({
        %run_scoped3A = tpu.sem_alloc : memref<!tpu.dma_semaphore, #tpu.memory_space<semaphore_mem>>
        %dma_start3A = arith.constant 0 : i32
        %dma_start3A_38 = arith.constant 0 : i32
        %dma_start3A_39 = tpu.memref_slice %arg10[%dma_start3A, %dma_start3A_38] : memref<160x128xf32, #tpu.memory_space<vmem>> -> memref<128x128xf32, #tpu.memory_space<vmem>>
        %dma_start3A_40 = arith.constant 0 : i32
        %dma_start3A_41 = tpu.memref_slice %arg7[%add3A_31, %dma_start3A_40] : memref<10240x128xf32, #tpu.memory_space<vmem_shared>> -> memref<128x128xf32, #tpu.memory_space<vmem_shared>>
        %dma_start3A_42 = arith.constant 0 : i32
        %dma_start3A_43 = arith.constant 0 : i32
        %dma_start3A_44 = tpu.memref_slice %arg10[%dma_start3A_42, %dma_start3A_43] : memref<160x128xf32, #tpu.memory_space<vmem>> -> memref<128x128xf32, #tpu.memory_space<vmem>>
        %dma_start3A_45 = arith.constant 0 : i32
        %dma_start3A_46 = tpu.memref_slice %arg7[%add3A_31, %dma_start3A_45] : memref<10240x128xf32, #tpu.memory_space<vmem_shared>> -> memref<128x128xf32, #tpu.memory_space<vmem_shared>>
        tpu.enqueue_dma source(%dma_start3A_46 : memref<128x128xf32, #tpu.memory_space<vmem_shared>>) target(%dma_start3A_44 : memref<128x128xf32, #tpu.memory_space<vmem>>) target_semaphore(%run_scoped3A : memref<!tpu.dma_semaphore, #tpu.memory_space<semaphore_mem>>)
        %dma_wait3A = arith.constant 0 : i32
        %dma_wait3A_47 = arith.constant 0 : i32
        %dma_wait3A_48 = tpu.memref_slice %arg10[%dma_wait3A, %dma_wait3A_47] : memref<160x128xf32, #tpu.memory_space<vmem>> -> memref<128x128xf32, #tpu.memory_space<vmem>>
        %dma_wait3A_49 = arith.constant 0 : i32
        %dma_wait3A_50 = tpu.memref_slice %arg7[%add3A_31, %dma_wait3A_49] : memref<10240x128xf32, #tpu.memory_space<vmem_shared>> -> memref<128x128xf32, #tpu.memory_space<vmem_shared>>
        %dma_wait3A_51 = arith.constant 0 : i32
        %dma_wait3A_52 = arith.constant 0 : i32
        %dma_wait3A_53 = tpu.memref_slice %arg10[%dma_wait3A_51, %dma_wait3A_52] : memref<160x128xf32, #tpu.memory_space<vmem>> -> memref<128x128xf32, #tpu.memory_space<vmem>>
        %dma_wait3A_54 = arith.constant 0 : i32
        %dma_wait3A_55 = tpu.memref_slice %arg7[%add3A_31, %dma_wait3A_54] : memref<10240x128xf32, #tpu.memory_space<vmem_shared>> -> memref<128x128xf32, #tpu.memory_space<vmem_shared>>
        tpu.wait_dma2 semaphore(%run_scoped3A : memref<!tpu.dma_semaphore, #tpu.memory_space<semaphore_mem>>) src(%dma_wait3A_55 : memref<128x128xf32, #tpu.memory_space<vmem_shared>>) dst(%dma_wait3A_53 : memref<128x128xf32, #tpu.memory_space<vmem>>)
        tpu.yield
      }) : () -> ()
      %mul3A_32 = arith.constant 10240 : i32
      %mul3A_33 = arith.muli %arg0, %mul3A_32 : i32
      %add3A_34 = arith.addi %mul3A_33, %mul3A_2 : i32
      %mul3A_35 = arith.constant 128 : i32
      %mul3A_36 = arith.muli %add3A_28, %mul3A_35 : i32
      %add3A_37 = arith.addi %add3A_34, %mul3A_36 : i32
      "tpu.region"() ({
        %run_scoped3A = tpu.sem_alloc : memref<!tpu.dma_semaphore, #tpu.memory_space<semaphore_mem>>
        %dma_start3A = arith.constant 0 : i32
        %dma_start3A_38 = arith.constant 0 : i32
        %dma_start3A_39 = tpu.memref_slice %arg10[%dma_start3A, %dma_start3A_38] : memref<160x128xf32, #tpu.memory_space<vmem>> -> memref<128x128xf32, #tpu.memory_space<vmem>>
        %dma_start3A_40 = arith.constant 0 : i32
        %dma_start3A_41 = tpu.memref_slice %arg6[%add3A_37, %dma_start3A_40] : memref<20480x128xf32, #tpu.memory_space<hbm>> -> memref<128x128xf32, #tpu.memory_space<hbm>>
        %dma_start3A_42 = arith.constant 0 : i32
        %dma_start3A_43 = tpu.memref_slice %arg6[%add3A_37, %dma_start3A_42] : memref<20480x128xf32, #tpu.memory_space<hbm>> -> memref<128x128xf32, #tpu.memory_space<hbm>>
        %dma_start3A_44 = arith.constant 0 : i32
        %dma_start3A_45 = arith.constant 0 : i32
        %dma_start3A_46 = tpu.memref_slice %arg10[%dma_start3A_44, %dma_start3A_45] : memref<160x128xf32, #tpu.memory_space<vmem>> -> memref<128x128xf32, #tpu.memory_space<vmem>>
        tpu.enqueue_dma source(%dma_start3A_46 : memref<128x128xf32, #tpu.memory_space<vmem>>) target(%dma_start3A_43 : memref<128x128xf32, #tpu.memory_space<hbm>>) target_semaphore(%run_scoped3A : memref<!tpu.dma_semaphore, #tpu.memory_space<semaphore_mem>>)
        %dma_wait3A = arith.constant 0 : i32
        %dma_wait3A_47 = arith.constant 0 : i32
        %dma_wait3A_48 = tpu.memref_slice %arg10[%dma_wait3A, %dma_wait3A_47] : memref<160x128xf32, #tpu.memory_space<vmem>> -> memref<128x128xf32, #tpu.memory_space<vmem>>
        %dma_wait3A_49 = arith.constant 0 : i32
        %dma_wait3A_50 = tpu.memref_slice %arg6[%add3A_37, %dma_wait3A_49] : memref<20480x128xf32, #tpu.memory_space<hbm>> -> memref<128x128xf32, #tpu.memory_space<hbm>>
        %dma_wait3A_51 = arith.constant 0 : i32
        %dma_wait3A_52 = tpu.memref_slice %arg6[%add3A_37, %dma_wait3A_51] : memref<20480x128xf32, #tpu.memory_space<hbm>> -> memref<128x128xf32, #tpu.memory_space<hbm>>
        %dma_wait3A_53 = arith.constant 0 : i32
        %dma_wait3A_54 = arith.constant 0 : i32
        %dma_wait3A_55 = tpu.memref_slice %arg10[%dma_wait3A_53, %dma_wait3A_54] : memref<160x128xf32, #tpu.memory_space<vmem>> -> memref<128x128xf32, #tpu.memory_space<vmem>>
        tpu.wait_dma2 semaphore(%run_scoped3A : memref<!tpu.dma_semaphore, #tpu.memory_space<semaphore_mem>>) src(%dma_wait3A_55 : memref<128x128xf32, #tpu.memory_space<vmem>>) dst(%dma_wait3A_52 : memref<128x128xf32, #tpu.memory_space<hbm>>)
        tpu.yield
      }) : () -> ()
    }
    %scan3A_23 = arith.constant 5 : i32
    return
  }
}

module attributes {stable_mosaic.version = 14 : i64} {
  func.func @_tc1_body(%arg0: memref<10000x128xf32, #tpu.memory_space<vmem>>, %arg1: memref<128x128xf32, #tpu.memory_space<vmem>>, %arg2: memref<32x10000xf32, #tpu.memory_space<vmem>>, %arg3: memref<10240x128xf32, #tpu.memory_space<vmem>>) attributes {dimension_semantics = [], scalar_prefetch = 0 : i64, scratch_operands = 0 : i64, tpu.core_type = #tpu.core_type<tc>} {
    %get3A = arith.constant 0 : index
    %get3A_0 = arith.constant 0 : index
    %get3A_1 = vector.load %arg2[%get3A, %get3A_0] : memref<32x10000xf32, #tpu.memory_space<vmem>>, vector<32x10000xf32>
    %reduce_sum3A = arith.constant dense<0.000000e+00> : vector<10000xf32>
    %reduce_sum3A_2 = vector.multi_reduction <add>, %get3A_1, %reduce_sum3A [0] : vector<32x10000xf32> to vector<10000xf32>
    %add3A = arith.constant 1.000000e+00 : f32
    %add3A_3 = vector.broadcast %add3A : f32 to vector<10000xf32>
    %add3A_4 = arith.addf %reduce_sum3A_2, %add3A_3 : vector<10000xf32>
    %rsqrt3A = math.rsqrt %add3A_4 : vector<10000xf32>
    %reshape3A = vector.shape_cast %rsqrt3A : vector<10000xf32> to vector<10000x1xf32>
    %get3A_5 = arith.constant 0 : index
    %get3A_6 = arith.constant 0 : index
    %get3A_7 = vector.load %arg0[%get3A_5, %get3A_6] : memref<10000x128xf32, #tpu.memory_space<vmem>>, vector<10000x128xf32>
    %get3A_8 = arith.constant 0 : index
    %get3A_9 = arith.constant 0 : index
    %get3A_10 = vector.load %arg1[%get3A_8, %get3A_9] : memref<128x128xf32, #tpu.memory_space<vmem>>, vector<128x128xf32>
    %dot_general3A = arith.constant dense<0.000000e+00> : vector<10000x128xf32>
    %dot_general3A_11 = tpu.matmul %get3A_7, %get3A_10, %dot_general3A {dimension_numbers = #tpu.dot_dimension_numbers<[1], [0], [0], [1], [0, 0, 1, 1], [], []>, transpose_lhs_hint = false} : vector<10000x128xf32>, vector<128x128xf32>, vector<10000x128xf32> -> vector<10000x128xf32>
    %mul3A = vector.broadcast %reshape3A : vector<10000x1xf32> to vector<10000x128xf32>
    %mul3A_12 = arith.mulf %dot_general3A_11, %mul3A : vector<10000x128xf32>
    %swap3A = arith.constant 0 : index
    %swap3A_13 = arith.constant 0 : index
    %swap3A_14 = vector.load %arg3[%swap3A, %swap3A_13] : memref<10240x128xf32, #tpu.memory_space<vmem>>, vector<10000x128xf32>
    tpu.vector_store %arg3[%swap3A, %swap3A_13], %mul3A_12 {strides = array<i32>} : memref<10240x128xf32, #tpu.memory_space<vmem>>, vector<10000x128xf32>,
    %broadcast_in_dim3A = arith.constant 0.000000e+00 : f32
    %broadcast_in_dim3A_15 = vector.broadcast %broadcast_in_dim3A : f32 to vector<240x128xf32>
    %swap3A_16 = arith.constant 10000 : index
    %swap3A_17 = arith.constant 0 : index
    %swap3A_18 = vector.load %arg3[%swap3A_16, %swap3A_17] : memref<10240x128xf32, #tpu.memory_space<vmem>>, vector<240x128xf32>
    tpu.vector_store %arg3[%swap3A_16, %swap3A_17], %broadcast_in_dim3A_15 {strides = array<i32>} : memref<10240x128xf32, #tpu.memory_space<vmem>>, vector<240x128xf32>,
    return
  }
}

module attributes {stable_mosaic.version = 14 : i64} {
  func.func @_tc2_body(%arg0: memref<20480x128xf32, #tpu.memory_space<vmem>>, %arg1: memref<32x10000xf32, #tpu.memory_space<vmem>>, %arg2: memref<1x128xf32, #tpu.memory_space<vmem>>, %arg3: memref<128x128xf32, #tpu.memory_space<vmem>>, %arg4: memref<10240x128xf32, #tpu.memory_space<vmem>>) attributes {dimension_semantics = [], scalar_prefetch = 0 : i64, scratch_operands = 0 : i64, tpu.core_type = #tpu.core_type<tc>} {
    %get3A = arith.constant 0 : index
    %get3A_0 = arith.constant 0 : index
    %get3A_1 = vector.load %arg1[%get3A, %get3A_0] : memref<32x10000xf32, #tpu.memory_space<vmem>>, vector<32x10000xf32>
    %reduce_sum3A = arith.constant dense<0.000000e+00> : vector<10000xf32>
    %reduce_sum3A_2 = vector.multi_reduction <add>, %get3A_1, %reduce_sum3A [0] : vector<32x10000xf32> to vector<10000xf32>
    %add3A = arith.constant 1.000000e+00 : f32
    %add3A_3 = vector.broadcast %add3A : f32 to vector<10000xf32>
    %add3A_4 = arith.addf %reduce_sum3A_2, %add3A_3 : vector<10000xf32>
    %rsqrt3A = math.rsqrt %add3A_4 : vector<10000xf32>
    %reshape3A = vector.shape_cast %rsqrt3A : vector<10000xf32> to vector<10000x1xf32>
    %get3A_5 = arith.constant 0 : index
    %get3A_6 = arith.constant 0 : index
    %get3A_7 = vector.load %arg0[%get3A_5, %get3A_6] : memref<20480x128xf32, #tpu.memory_space<vmem>>, vector<10000x128xf32>
    %get3A_8 = arith.constant 10240 : index
    %get3A_9 = arith.constant 0 : index
    %get3A_10 = vector.load %arg0[%get3A_8, %get3A_9] : memref<20480x128xf32, #tpu.memory_space<vmem>>, vector<10000x128xf32>
    %add3A_11 = arith.addf %get3A_7, %get3A_10 : vector<10000x128xf32>
    %mul3A = vector.broadcast %reshape3A : vector<10000x1xf32> to vector<10000x128xf32>
    %mul3A_12 = arith.mulf %add3A_11, %mul3A : vector<10000x128xf32>
    %get3A_13 = arith.constant 0 : index
    %get3A_14 = arith.constant 0 : index
    %get3A_15 = vector.load %arg2[%get3A_13, %get3A_14] : memref<1x128xf32, #tpu.memory_space<vmem>>, vector<1x128xf32>
    %add3A_16 = vector.broadcast %get3A_15 : vector<1x128xf32> to vector<10000x128xf32>
    %add3A_17 = arith.addf %mul3A_12, %add3A_16 : vector<10000x128xf32>
    %max3A = arith.constant 0.000000e+00 : f32
    %max3A_18 = vector.broadcast %max3A : f32 to vector<10000x128xf32>
    %max3A_19 = arith.maximumf %add3A_17, %max3A_18 : vector<10000x128xf32>
    %get3A_20 = arith.constant 0 : index
    %get3A_21 = arith.constant 0 : index
    %get3A_22 = vector.load %arg3[%get3A_20, %get3A_21] : memref<128x128xf32, #tpu.memory_space<vmem>>, vector<128x128xf32>
    %dot_general3A = arith.constant dense<0.000000e+00> : vector<10000x128xf32>
    %dot_general3A_23 = tpu.matmul %max3A_19, %get3A_22, %dot_general3A {dimension_numbers = #tpu.dot_dimension_numbers<[1], [0], [0], [1], [0, 0, 1, 1], [], []>, transpose_lhs_hint = false} : vector<10000x128xf32>, vector<128x128xf32>, vector<10000x128xf32> -> vector<10000x128xf32>
    %mul3A_24 = vector.broadcast %reshape3A : vector<10000x1xf32> to vector<10000x128xf32>
    %mul3A_25 = arith.mulf %dot_general3A_23, %mul3A_24 : vector<10000x128xf32>
    %swap3A = arith.constant 0 : index
    %swap3A_26 = arith.constant 0 : index
    %swap3A_27 = vector.load %arg4[%swap3A, %swap3A_26] : memref<10240x128xf32, #tpu.memory_space<vmem>>, vector<10000x128xf32>
    tpu.vector_store %arg4[%swap3A, %swap3A_26], %mul3A_25 {strides = array<i32>} : memref<10240x128xf32, #tpu.memory_space<vmem>>, vector<10000x128xf32>,
    %broadcast_in_dim3A = arith.constant 0.000000e+00 : f32
    %broadcast_in_dim3A_28 = vector.broadcast %broadcast_in_dim3A : f32 to vector<240x128xf32>
    %swap3A_29 = arith.constant 10000 : index
    %swap3A_30 = arith.constant 0 : index
    %swap3A_31 = vector.load %arg4[%swap3A_29, %swap3A_30] : memref<10240x128xf32, #tpu.memory_space<vmem>>, vector<240x128xf32>
    tpu.vector_store %arg4[%swap3A_29, %swap3A_30], %broadcast_in_dim3A_28 {strides = array<i32>} : memref<10240x128xf32, #tpu.memory_space<vmem>>, vector<240x128xf32>,
    return
  }
}

module attributes {stable_mosaic.version = 14 : i64} {
  func.func @_tc3_body(%arg0: memref<20480x128xf32, #tpu.memory_space<vmem>>, %arg1: memref<32x10000xf32, #tpu.memory_space<vmem>>, %arg2: memref<1x128xf32, #tpu.memory_space<vmem>>, %arg3: memref<128x40xf32, #tpu.memory_space<vmem>>, %arg4: memref<1x40xf32, #tpu.memory_space<vmem>>, %arg5: memref<10000x40xf32, #tpu.memory_space<vmem>>) attributes {dimension_semantics = [], scalar_prefetch = 0 : i64, scratch_operands = 0 : i64, tpu.core_type = #tpu.core_type<tc>} {
    %get3A = arith.constant 0 : index
    %get3A_0 = arith.constant 0 : index
    %get3A_1 = vector.load %arg1[%get3A, %get3A_0] : memref<32x10000xf32, #tpu.memory_space<vmem>>, vector<32x10000xf32>
    %reduce_sum3A = arith.constant dense<0.000000e+00> : vector<10000xf32>
    %reduce_sum3A_2 = vector.multi_reduction <add>, %get3A_1, %reduce_sum3A [0] : vector<32x10000xf32> to vector<10000xf32>
    %add3A = arith.constant 1.000000e+00 : f32
    %add3A_3 = vector.broadcast %add3A : f32 to vector<10000xf32>
    %add3A_4 = arith.addf %reduce_sum3A_2, %add3A_3 : vector<10000xf32>
    %rsqrt3A = math.rsqrt %add3A_4 : vector<10000xf32>
    %reshape3A = vector.shape_cast %rsqrt3A : vector<10000xf32> to vector<10000x1xf32>
    %get3A_5 = arith.constant 0 : index
    %get3A_6 = arith.constant 0 : index
    %get3A_7 = vector.load %arg0[%get3A_5, %get3A_6] : memref<20480x128xf32, #tpu.memory_space<vmem>>, vector<10000x128xf32>
    %get3A_8 = arith.constant 10240 : index
    %get3A_9 = arith.constant 0 : index
    %get3A_10 = vector.load %arg0[%get3A_8, %get3A_9] : memref<20480x128xf32, #tpu.memory_space<vmem>>, vector<10000x128xf32>
    %add3A_11 = arith.addf %get3A_7, %get3A_10 : vector<10000x128xf32>
    %mul3A = vector.broadcast %reshape3A : vector<10000x1xf32> to vector<10000x128xf32>
    %mul3A_12 = arith.mulf %add3A_11, %mul3A : vector<10000x128xf32>
    %get3A_13 = arith.constant 0 : index
    %get3A_14 = arith.constant 0 : index
    %get3A_15 = vector.load %arg2[%get3A_13, %get3A_14] : memref<1x128xf32, #tpu.memory_space<vmem>>, vector<1x128xf32>
    %add3A_16 = vector.broadcast %get3A_15 : vector<1x128xf32> to vector<10000x128xf32>
    %add3A_17 = arith.addf %mul3A_12, %add3A_16 : vector<10000x128xf32>
    %max3A = arith.constant 0.000000e+00 : f32
    %max3A_18 = vector.broadcast %max3A : f32 to vector<10000x128xf32>
    %max3A_19 = arith.maximumf %add3A_17, %max3A_18 : vector<10000x128xf32>
    %get3A_20 = arith.constant 0 : index
    %get3A_21 = arith.constant 0 : index
    %get3A_22 = vector.load %arg3[%get3A_20, %get3A_21] : memref<128x40xf32, #tpu.memory_space<vmem>>, vector<128x40xf32>
    %dot_general3A = arith.constant dense<0.000000e+00> : vector<10000x40xf32>
    %dot_general3A_23 = tpu.matmul %max3A_19, %get3A_22, %dot_general3A {dimension_numbers = #tpu.dot_dimension_numbers<[1], [0], [0], [1], [0, 0, 1, 1], [], []>, transpose_lhs_hint = false} : vector<10000x128xf32>, vector<128x40xf32>, vector<10000x40xf32> -> vector<10000x40xf32>
    %get3A_24 = arith.constant 0 : index
    %get3A_25 = arith.constant 0 : index
    %get3A_26 = vector.load %arg4[%get3A_24, %get3A_25] : memref<1x40xf32, #tpu.memory_space<vmem>>, vector<1x40xf32>
    %add3A_27 = vector.broadcast %get3A_26 : vector<1x40xf32> to vector<10000x40xf32>
    %add3A_28 = arith.addf %dot_general3A_23, %add3A_27 : vector<10000x40xf32>
    %swap3A = arith.constant 0 : index
    %swap3A_29 = arith.constant 0 : index
    %swap3A_30 = vector.load %arg5[%swap3A, %swap3A_29] : memref<10000x40xf32, #tpu.memory_space<vmem>>, vector<10000x40xf32>
    tpu.vector_store %arg5[%swap3A, %swap3A_29], %add3A_28 {strides = array<i32>} : memref<10000x40xf32, #tpu.memory_space<vmem>>, vector<10000x40xf32>,
    return
  }
}

</mosaic_0001>

<sc_bundles>
// kernel: kernel.11.cloned.1.call-start
scs
__scs_entry_jumppad:
0x0: {  	(pc) =	sbr.rel $0x88, $3  }
0x1: {  	(tag) =	ssettag $0x0;
	lr =	simm.s32 $0x1  }
0x2: {  	[smem:$0x3F99] =	sst lr;
	_ =	strace $0xD0000000  }
0x3: {  	_ = 	snop  }
0x4: {  	_ = 	snop  }
0x5: {  	_ = 	snop  }
0x6: {  	_ = 	snop  }
0x7: {  	_ = 	snop  }
__scs_overlays_trampoline_lowered:
0x8: {  	[smem:$0x3FA8] =	sst s0  }
0x9: {  	[smem:$0x3FA9] =	sst s1  }
0xa: {  	[smem:$0x3FAA] =	sst s2  }
0xb: {  	[smem:$0x3FAB] =	sst s3  }
0xc: {  	[smem:$0x3FAC] =	sst s4  }
0xd: {  	[smem:$0x3FAD] =	sst s5  }
0xe: {  	[smem:$0x3FAE] =	sst s6  }
0xf: {  	[smem:$0x3FAF] =	sst s7  }
0x10: {  	[smem:$0x3FB0] =	sst s8  }
0x11: {  	[smem:$0x3FB1] =	sst s9;
	s0 =	simm.s32 @!p0 $0x0  }
0x12: {  	s1 =	sld [smem:$0x3F97];
	s0 =	simm.s32 @p0 $0x1  }
0x13: {  	[smem:$0x3FB2] =	sst s0;
	s0 =	simm.s32 @!p1 $0x0  }
0x14: {  	s2 =	sld [smem:$0x3F96];
	s0 =	simm.s32 @p1 $0x1  }
0x15: {  	[smem:$0x3FB3] =	sst s0;
	s0 =	simm.s32 @!p2 $0x0  }
0x16: {  	s3 =	sld [smem:$0x3FDB];
	s0 =	simm.s32 @p2 $0x1  }
0x17: {  	s4 =	simm.s32 $0x1BF5;
	[smem:$0x3FB5] =	sst s0  }
0x18: {  	s0 =	sld [smem:$0x3F98];
	_ =	swait.ge [sflag:s4], $0x0  }
0x19: {  	s7 =	sld [smem:$0x3F99]  }
0x1a: {  	s8 =	sadd.s32 $0xFFFFE003, lr  }
0x1b: {  	s9 =	sadd.s32 $0xFFFFFEF7, lr;
	s5 =	simm.s32 $0xFFFFFFFF;
	p2 =	slt.u32 s8, $0xFFFFF086  }
0x1c: {  	p1 =	slt.u32 s9, $0xF7A;
	s5 =	simm.s32 @!p2 $0x0  }
0x1d: {  	s5 =	simm.s32 @p1 $0x1;
	p0 =	seq.s32 s7, s2  }
0x1e: {  	s7 =	smul.u32 @!p0 $0xF7A, s2;
	p2 =	seq.s32 @!p0 s5, $0x0  }
0x1f: {  	s9 =	smul.u32 $0xF7A, s1;
	s8 =	simm.s32 @!p0 $0x1BF5;
	p2 =	por !p2, p0  }
0x20: {  	[sflag:s8] =	ssyncset.s32 @!p0 $0xFFFFF086;
	s6 =	sadd.s32 @!p0 s3, s7;
	s7 =	simm.s32 @!p0 $0x108  }
0x21: {  	s3 =	sadd.s32 s3, s9;
	s6 =	sadd.s32 @!p0 $0x88, s6;
	s7 =	simm.s32 @p2 $0x1082  }
0x22: {  	[simem:s7], [sflag:s8] =	dma.local @!p0 [hbm:s6], $0xF7A  }
0x23: {  	s9 =	sor.u32 $0xD0000000, s2;
	s6 =	simm.s32 $0x108;
	_ =	swait.ge @!p0 [sflag:s8], $0x0  }
0x24: {  	s3 =	sadd.s32 $0x88, s3;
	s6 =	simm.s32 @!p1 $0x1082;
	[sflag:s4] =	ssyncset.s32 $0xFFFFF086  }
0x25: {  	[simem:s6], [sflag:s4] =	dma.local [hbm:s3], $0xF7A  }
0x26: {  	[smem:$0x3F99] =	sst s1;
	(tag) =	ssettag s2;
	_ =	strace s9  }
0x27: {  	s1 =	sld [smem:$0x3FA9]  }
0x28: {  	s2 =	sld [smem:$0x3FAA]  }
0x29: {  	s4 =	sld [smem:$0x3FAC]  }
0x2a: {  	p0 =	seq.s32 s5, $0x0;
	s5 =	sld [smem:$0x3FAD]  }
0x2b: {  	s6 =	sld [smem:$0x3FAE]  }
0x2c: {  	s7 =	sld [smem:$0x3FAF]  }
0x2d: {  	s3 =	simm.s32 $0x108;
	s8 =	sld [smem:$0x3FB0]  }
0x2e: {  	s3 =	simm.s32 @!p0 $0x1082;
	s9 =	sld [smem:$0x3FB1]  }
0x2f: {  	lr =	sadd.s32 s0, s3;
	s0 =	sld [smem:$0x3FA8]  }
0x30: {  	s3 =	sld [smem:$0x3FAB]  }
0x31: {  	[smem:$0x3FB4] =	sst s10  }
0x32: {  	s10 =	sld [smem:$0x3FB2];
	_ =	sdelay $0x3  }
0x33: {  	p0 =	seq.s32 s10, $0x1;
	s10 =	sld [smem:$0x3FB4];
	_ =	sdelay $0x3  }
0x34: {  	[smem:$0x3FB4] =	sst s10  }
0x35: {  	s10 =	sld [smem:$0x3FB3];
	_ =	sdelay $0x3  }
0x36: {  	p1 =	seq.s32 s10, $0x1;
	s10 =	sld [smem:$0x3FB4];
	_ =	sdelay $0x3  }
0x37: {  	[smem:$0x3FB4] =	sst s10  }
0x38: {  	s10 =	sld [smem:$0x3FB5]  }
0x39: {  	_ = 	snop;
	(pc) =	sbr.ind lr, $3  }
0x3a: {  	_ = 	snop  }
0x3b: {  	_ = 	snop  }
0x3c: {  	p2 =	seq.s32 s10, $0x1;
	s10 =	sld [smem:$0x3FB4]  }
0x3d: {  	_ =	shalt  }
0x3e: {  	_ =	shalt  }
0x3f: {  	_ =	shalt  }
0x40: {  	_ =	shalt  }
0x41: {  	_ =	shalt  }
0x42: {  	_ =	shalt  }
0x43: {  	_ =	shalt  }
0x44: {  	_ =	shalt  }
0x45: {  	_ =	shalt  }
0x46: {  	_ =	shalt  }
0x47: {  	_ =	shalt  }
0x48: {  	_ =	shalt  }
0x49: {  	_ =	shalt  }
0x4a: {  	_ =	shalt  }
0x4b: {  	_ =	shalt  }
0x4c: {  	_ =	shalt  }
0x4d: {  	_ =	shalt  }
0x4e: {  	_ =	shalt  }
0x4f: {  	_ =	shalt  }
0x50: {  	_ =	shalt  }
0x51: {  	_ =	shalt  }
0x52: {  	_ =	shalt  }
0x53: {  	_ =	shalt  }
0x54: {  	_ =	shalt  }
0x55: {  	_ =	shalt  }
0x56: {  	_ =	shalt  }
0x57: {  	_ =	shalt  }
0x58: {  	_ =	shalt  }
0x59: {  	_ =	shalt  }
0x5a: {  	_ =	shalt  }
0x5b: {  	_ =	shalt  }
0x5c: {  	_ =	shalt  }
0x5d: {  	_ =	shalt  }
0x5e: {  	_ =	shalt  }
0x5f: {  	_ =	shalt  }
0x60: {  	_ =	shalt  }
0x61: {  	_ =	shalt  }
0x62: {  	_ =	shalt  }
0x63: {  	_ =	shalt  }
0x64: {  	_ =	shalt  }
0x65: {  	_ =	shalt  }
0x66: {  	_ =	shalt  }
0x67: {  	_ =	shalt  }
0x68: {  	_ =	shalt  }
0x69: {  	_ =	shalt  }
0x6a: {  	_ =	shalt  }
0x6b: {  	_ =	shalt  }
0x6c: {  	_ =	shalt  }
0x6d: {  	_ =	shalt  }
0x6e: {  	_ =	shalt  }
0x6f: {  	_ =	shalt  }
0x70: {  	_ =	shalt  }
0x71: {  	_ =	shalt  }
0x72: {  	_ =	shalt  }
0x73: {  	_ =	shalt  }
0x74: {  	_ =	shalt  }
0x75: {  	_ =	shalt  }
0x76: {  	_ =	shalt  }
0x77: {  	_ =	shalt  }
0x78: {  	_ =	shalt  }
0x79: {  	_ =	shalt  }
0x7a: {  	_ =	shalt  }
0x7b: {  	_ =	shalt  }
0x7c: {  	_ =	shalt  }
0x7d: {  	_ =	shalt  }
0x7e: {  	_ =	shalt  }
0x7f: {  	_ =	shalt  }
0x80: {  	_ =	shalt  }
0x81: {  	_ =	shalt  }
0x82: {  	_ =	shalt  }
0x83: {  	_ =	shalt  }
0x84: {  	_ =	shalt  }
0x85: {  	_ =	shalt  }
0x86: {  	_ =	shalt  }
0x87: {  	_ =	shalt  }
.Lfunc_end0:
.L_simem_size_0:
called_computation.1_lowered:
.L_overlay_start_0:
0x88: {  	s2 =	sld [smem:$0x3FD9]  }
0x89: {  	s3 =	sld [smem:$0x3FFE];
	_ =	sdelay $0x1  }
0x8a: {  	s1 =	srdreg.scid  }
0x8b: {  	s0 =	sand.u32 $0x1, s1  }
0x8c: {  	s17 =	sshll.u32 s0, $0xA;
	s2 =	sadd.s32 s3, s2  }
0x8d: {  	s2 =	sadd.s32 s2, s17  }
0x8e: {  	[smem:$0x3FC0] =	sst s2  }
0x8f: {  	_ = 	snop  }
0x90: {  	s2 =	sld [smem:$0x3FD0];
	(tm) =	ssettm $0x1  }
0x91: {  	s18 =	sld [smem:$0x3FFB];
	_ =	sdelay $0x3  }
0x92: {  	_ =	strace s18  }
0x93: {  	s3 =	sld [smem:$0x3FFC];
	_ =	sdelay $0x3  }
0x94: {  	_ =	strace s3  }
0x95: {  	s3 =	sld [smem:$0x3FFD];
	_ =	sdelay $0x3  }
0x96: {  	_ =	strace s3  }
0x97: {  	_ =	strace $0x8FFFFFFF  }
0x98: {  	s19 =	sld [smem:$0x3FDB];
	_ =	sdelay $0x1  }
0x99: {  	s4 =	simm.s32 $_scs_section_size  }
0x9a: {  	s5 =	simm.s32 $_size__tile_overlayer_lowered;
	s6 =	simm.s32 $_tile_overlayer_lowered  }
0x9b: {  	s22 =	simm.s32 $0x1BFF;
	s21 =	sshll.u32 s6, $0x1;
	s3 =	sadd.s32 s4, s19  }
0x9c: {  	s7 =	simm.s32 $0x0;
	s20 =	sshll.u32 s5, $0x1;
	s5 =	sadd.s32 s21, s3  }
0x9d: {  	[timem:s7], [sflag:s22] =	dma.local [hbm:s5], s20  }
0x9e: {  	_ =	swait.ge [sflag:s22], s20  }
0x9f: {  	s4 =	ssub.s32 $0x0, s20;
	[sflag:s22] =	ssyncset.done $0x0  }
0xa0: {  	[sflag:s22] =	ssyncadd.s32 s4;
	_ =	sdelay $0x1  }
0xa1: {  	s23 =	simm.s32 $0x1B8B  }
0xa2: {  	_ =	swait.ge [sflag:s23], $0x1  }
0xa3: {  	[sflag:s23] =	ssyncset.done $0x0  }
0xa4: {  	s25 =	simm.s32 $0x1B8E;
	s24 =	sld [smem:$0x3FFE];
	[sflag:s23] =	ssyncadd.s32 $0xFFFFFFFF  }
0xa5: {  	s26 =	simm.s32 $execute0_lowered;
	[smem:$0x3FD2] =	sst s25  }
0xa6: {  	s5 =	sshll.u32 s26, $0x1;
	_ =	strace $0x80000049;
	[dreg:$0x1] =	wrdreg $0xFFFFFFFF  }
0xa7: {  	s28 =	simm.s32 $_size_execute0_lowered;
	s3 =	sadd.s32 s3, s5;
	[dreg:$0x0] =	wrdreg $0x0  }
0xa8: {  	s5 =	sshll.u32 s28, $0x1;
	[dreg:$0x2] =	wrdreg s3  }
0xa9: {  	[dreg:$0x3] =	wrdreg s5  }
0xaa: {  	[dreg:$0x4] =	wrdreg $0xC0  }
0xab: {  	_ =	task [dreg:s7], $0x5FFFF  }
0xac: {  	[dreg:$0x1] =	wrdreg $0xFFFFFFFF  }
0xad: {  	[dreg:$0x0] =	wrdreg $0x60  }
0xae: {  	[dreg:$0x2] =	wrdreg s24  }
0xaf: {  	[dreg:$0x3] =	wrdreg s2  }
0xb0: {  	[dreg:$0x4] =	wrdreg $0x0  }
0xb1: {  	[dreg:$0x5] =	wrdreg $0x9  }
0xb2: {  	_ =	task.clear_ibuf [dreg:s7], $0x6FFFF;
	_ =	strace $0x90000049  }
0xb3: {  	s29 =	simm.s32 $0x9;
	_ =	strace $0x8000004B  }
0xb4: {  	_ =	swait.ge [sflag:s29], $0x1  }
0xb5: {  	[sflag:s29] =	ssyncadd.s32 $0xFFFFFFFF  }
0xb6: {  	_ =	strace $0x9000004B  }
0xb7: {  	_ =	sfence  }
0xb8: {  	s30 =	sld [smem:$0x0];
	_ =	sdelay $0x2  }
0xb9: {  	s31 =	sshll.u32 s1, $0xD;
	s1 =	sshrl.u32 s1, $0x2  }
0xba: {  	s3 =	sand.u32 $0x4000, s31;
	s1 =	sadd.s32 s1, s30  }
0xbb: {  	s0 =	sor.u32 s3, s0;
	s1 =	sshll.u32 s1, $0x11  }
0xbc: {  	s0 =	sor.u32 s1, s0  }
0xbd: {  	s0 =	sadd.s32 $0x8F2B, s0  }
0xbe: {  	[sflag:s0] =	ssyncadd.remote.s32 $0x1  }
0xbf: {  	_ =	sfence.sel $0xFFFF  }
0xc0: {  	[dreg:$0x0] =	wrdreg $0xFFFFFFFF;
	(pc) =	sbr.abs _section_cstart, $3  }
0xc1: {  	[dreg:$0x1] =	wrdreg $0xFFFFFFFF  }
0xc2: {  	_ =	task.clear_ibuf [dreg:s7], $0x2FFFF;
	_ =	strace $0x9FFFFFFF  }
0xc3: {  	(tm) =	ssettm $0x7FFFFFFF  }
tec
execute0_lowered:
.L_overlay_start_1:
0x0: {  	(tag) =	ssettag $0x1  }
0x1: {  	s0 =	srdreg.scid;
	s1 =	rddreg [dreg:$0x0]  }
0x2: {  	s12 =	stileid.u32;
	s5 =	rddreg [dreg:$0x1]  }
0x3: {  	s30 =	simm.s32 $0x14000;
	s31 =	simm.s32 $0x2;
	s7 =	smul.u32 $0x280, s12  }
0x4: {  	s0 =	sand.u32 $0x1, s0;
	s4 =	sadd.s32 $0xC000, s1;
	s11 =	smul.u32 $0x50000, s12  }
0x5: {  	s10 =	sadd.s32 $0x34000, s1;
	s13 =	smul.u32 $0x14000, s12;
	s2 =	sshll.u32 s0, $0x4  }
0x6: {  	s8 =	smul.u32 $0x2800, s0;
	s25 =	ssub.s32 $0x2, s0;
	p0 =	seq.s32 s0, $0x1  }
0x7: {  	s3 =	sor.u32 s12, s2;
	s2 =	rddreg [dreg:$0x2];
	s26 =	sshrl.u32 s25, $0x1  }
0x8: {  	s15 =	sshrl.u32 s11, $0x2;
	s16 =	sshrl.u32 s13, $0x3;
	s18 =	sadd.s32 $0x4000, s13  }
0x9: {  	s21 =	sadd.s32 $0x8000, s13;
	s23 =	sadd.s32 $0xC000, s13;
	s24 =	sadd.s32 $0x10000, s13  }
0xa: {  	s6 =	smul.u32 $0x4E2, s3;
	s3 =	simm.s32 $0x0;
	s7 =	sadd.s32 s8, s7  }
0xb: {  	s8 =	sadd.s32 s15, s2;
	s0 =	sadd.s32 s4, s16;
	s19 =	sadd.s32 s13, s2  }
0xc: {  	s20 =	sshrl.u32 s18, $0x3;
	s22 =	sshrl.u32 s21, $0x3;
	s15 =	sadd.s32 s21, s2  }
0xd: {  	[smem:$0x7FF] =	sst s3;
	s7 =	sshll.u32 s7, $0x4;
	s28 =	sadd.s32 $0x8000, s8  }
0xe: {  	s29 =	sadd.s32 $0xC000, s8;
	_ =	strace $0x8000004A;
	[dreg:$0x4] =	wrdreg s10  }
0xf: {  	s9 =	sadd.s32 s6, s1;
	s1 =	sadd.s32 s7, s1;
	[dreg:$0x8] =	wrdreg s0  }
0x10: {  	s10 =	ssub.s32 s25, s26;
	s5 =	sadd.s32 s5, s6;
	[dreg:$0x9] =	wrdreg s19  }
0x11: {  	s0 =	sadd.s32 s18, s2;
	s25 =	sshrl.u32 s23, $0x3;
	s26 =	sshrl.u32 s24, $0x3  }
0x12: {  	s19 =	sadd.s32 s24, s2;
	s6 =	simm.s32 $0x1;
	s7 =	simm.s32 $0x0  }
0x13: {  	[dreg:$0x5] =	wrdreg s5;
	s14 =	sadd.s32 $0x2200, s9;
	s17 =	smax.u32 s10, $0x1  }
0x14: {  	s5 =	sadd.s32 s4, s20;
	[dreg:$0xb] =	wrdreg s0;
	s0 =	sadd.s32 s4, s22  }
0x15: {  	s16 =	sadd.s32 s4, s25;
	s18 =	sadd.s32 s4, s26;
	[dreg:$0x6] =	wrdreg s14  }
0x16: {  	s20 =	sadd.s32 $0x10000, s8;
	s21 =	sadd.s32 $0x34800, s1;
	[dreg:$0x7] =	wrdreg s17  }
0x17: {  	s22 =	sadd.s32 $0x35000, s1;
	s24 =	sadd.s32 $0x36000, s1;
	[dreg:$0xa] =	wrdreg s5  }
0x18: {  	s25 =	sadd.s32 $0x36800, s1;
	s26 =	sadd.s32 $0x4000, s8;
	[dreg:$0xc] =	wrdreg s0  }
0x19: {  	s17 =	sadd.s32 s23, s2;
	s23 =	sadd.s32 $0x35800, s1;
	s19 =	smov.u32 @p0 s20  }
0x1a: {  	s1 =	simm.s32 $0x16710;
	s0 =	simm.s32 $0x18E20;
	s5 =	simm.s32 $0x50  }
.LBB2_1:
0x1b: {  	s9 =	rddreg [dreg:$0x5]  }
0x1c: {  	[tilespmem:s30], [sflag:$0x2] =	stream.linear.gather [hbm4b:s9+s3], $0x2710, $0x38;
	[tilespmem:$0x1DE20] =	vst v63  }
0x1d: {  	_ =	swait.ge [sflag:s31], $0x2710  }
0x1e: {  	[sflag:s31] =	ssyncset.done $0x0  }
0x1f: {  	s11 =	rddreg [dreg:$0x6];
	[sflag:s31] =	ssyncadd.s32 $0xFFFFD8F0  }
0x20: {  	[tilespmem:s1], [sflag:$0x2] =	stream.linear.gather [hbm4b:s11+s3], $0x2710, $0x38;
	[tilespmem:$0x1DE20] =	vst v63  }
0x21: {  	_ =	swait.ge [sflag:s31], $0x2710  }
0x22: {  	s10 =	simm.s32 @p0 $0x18E20;
	[sflag:s31] =	ssyncset.done $0x0  }
0x23: {  	s9 =	simm.s32 @p0 $0x0;
	s11 =	rddreg [dreg:$0x4];
	[sflag:s31] =	ssyncadd.s32 $0xFFFFD8F0  }
0x24: {  	[tilespmem:s10], [sflag:$0x2] =	stream.linear.gather @p0 [hbm4b:s11+s9], $0x4000, $0x38;
	[tilespmem:$0x1DE20] =	vst v63  }
0x25: {  	s9 =	simm.s32 @p0 $0x2  }
0x26: {  	_ =	swait.ge @p0 [sflag:s9], $0x4000  }
0x27: {  	[sflag:s9] =	ssyncset.done @p0 $0x0  }
0x28: {  	[sflag:s9] =	ssyncadd.s32 @p0 $0xFFFFC000  }
0x29: {  	[spmem:s8] =	stream.linear.scatter @p0 [tilespmem:s10], [sflag:$0x2], $0x4000, $0x38;
	[tilespmem:$0x1DE20] =	vst v63  }
0x2a: {  	_ =	swait.ge @p0 [sflag:s9], $0x4000  }
0x2b: {  	[sflag:s9] =	ssyncset.done @p0 $0x0  }
0x2c: {  	[sflag:s9] =	ssyncadd.s32 @p0 $0xFFFFC000  }
0x2d: {  	[spmem:s26] =	stream.linear.scatter @p0 [tilespmem:s10], [sflag:$0x2], $0x4000, $0x38;
	[tilespmem:$0x1DE20] =	vst v63  }
0x2e: {  	_ =	swait.ge @p0 [sflag:s9], $0x4000  }
0x2f: {  	[sflag:s9] =	ssyncset.done @p0 $0x0  }
0x30: {  	[sflag:s9] =	ssyncadd.s32 @p0 $0xFFFFC000  }
0x31: {  	[spmem:s28] =	stream.linear.scatter @p0 [tilespmem:s10], [sflag:$0x2], $0x4000, $0x38;
	[tilespmem:$0x1DE20] =	vst v63  }
0x32: {  	_ =	swait.ge @p0 [sflag:s9], $0x4000  }
0x33: {  	[sflag:s9] =	ssyncset.done @p0 $0x0  }
0x34: {  	[sflag:s9] =	ssyncadd.s32 @p0 $0xFFFFC000  }
0x35: {  	[spmem:s29] =	stream.linear.scatter @p0 [tilespmem:s10], [sflag:$0x2], $0x4000, $0x38;
	[tilespmem:$0x1DE20] =	vst v63  }
0x36: {  	s11 =	rddreg [dreg:$0x8];
	s9 =	simm.s32 @!p0 $0x0;
	s10 =	simm.s32 @!p0 $0x18E20  }
0x37: {  	[tilespmem:s10], [sflag:$0x2] =	stream.linear.gather @!p0 [hbm4b:s11+s9], $0x4000, $0x38;
	[tilespmem:$0x1DE20] =	vst v63  }
0x38: {  	s11 =	simm.s32 @!p0 $0x2  }
0x39: {  	_ =	swait.ge @!p0 [sflag:s11], $0x4000  }
0x3a: {  	[sflag:s11] =	ssyncset.done @!p0 $0x0  }
0x3b: {  	s12 =	rddreg [dreg:$0x9];
	[sflag:s11] =	ssyncadd.s32 @!p0 $0xFFFFC000  }
0x3c: {  	[spmem:s12] =	stream.linear.scatter @!p0 [tilespmem:s10], [sflag:$0x2], $0x4000, $0x38;
	[tilespmem:$0x1DE20] =	vst v63  }
0x3d: {  	_ =	swait.ge @!p0 [sflag:s11], $0x4000  }
0x3e: {  	[sflag:s11] =	ssyncset.done @!p0 $0x0  }
0x3f: {  	s12 =	rddreg [dreg:$0xa];
	[sflag:s11] =	ssyncadd.s32 @!p0 $0xFFFFC000  }
0x40: {  	[tilespmem:s10], [sflag:$0x2] =	stream.linear.gather @!p0 [hbm4b:s12+s9], $0x4000, $0x38;
	[tilespmem:$0x1DE20] =	vst v63  }
0x41: {  	_ =	swait.ge @!p0 [sflag:s11], $0x4000  }
0x42: {  	[sflag:s11] =	ssyncset.done @!p0 $0x0  }
0x43: {  	s12 =	rddreg [dreg:$0xb];
	[sflag:s11] =	ssyncadd.s32 @!p0 $0xFFFFC000  }
0x44: {  	[spmem:s12] =	stream.linear.scatter @!p0 [tilespmem:s10], [sflag:$0x2], $0x4000, $0x38;
	[tilespmem:$0x1DE20] =	vst v63  }
0x45: {  	_ =	swait.ge @!p0 [sflag:s11], $0x4000  }
0x46: {  	[sflag:s11] =	ssyncset.done @!p0 $0x0  }
0x47: {  	s12 =	rddreg [dreg:$0xc];
	[sflag:s11] =	ssyncadd.s32 @!p0 $0xFFFFC000  }
0x48: {  	[tilespmem:s10], [sflag:$0x2] =	stream.linear.gather @!p0 [hbm4b:s12+s9], $0x4000, $0x38;
	[tilespmem:$0x1DE20] =	vst v63  }
0x49: {  	_ =	swait.ge @!p0 [sflag:s11], $0x4000  }
0x4a: {  	[sflag:s11] =	ssyncset.done @!p0 $0x0  }
0x4b: {  	[sflag:s11] =	ssyncadd.s32 @!p0 $0xFFFFC000  }
0x4c: {  	[spmem:s15] =	stream.linear.scatter @!p0 [tilespmem:s10], [sflag:$0x2], $0x4000, $0x38;
	[tilespmem:$0x1DE20] =	vst v63  }
0x4d: {  	_ =	swait.ge @!p0 [sflag:s11], $0x4000  }
0x4e: {  	[sflag:s11] =	ssyncset.done @!p0 $0x0  }
0x4f: {  	[sflag:s11] =	ssyncadd.s32 @!p0 $0xFFFFC000  }
0x50: {  	[tilespmem:s10], [sflag:$0x2] =	stream.linear.gather @!p0 [hbm4b:s16+s9], $0x4000, $0x38;
	[tilespmem:$0x1DE20] =	vst v63  }
0x51: {  	_ =	swait.ge @!p0 [sflag:s11], $0x4000  }
0x52: {  	[sflag:s11] =	ssyncset.done @!p0 $0x0  }
0x53: {  	[sflag:s11] =	ssyncadd.s32 @!p0 $0xFFFFC000  }
0x54: {  	[spmem:s17] =	stream.linear.scatter @!p0 [tilespmem:s10], [sflag:$0x2], $0x4000, $0x38;
	[tilespmem:$0x1DE20] =	vst v63  }
0x55: {  	_ =	swait.ge @!p0 [sflag:s11], $0x4000  }
0x56: {  	[sflag:s11] =	ssyncset.done @!p0 $0x0  }
0x57: {  	[sflag:s11] =	ssyncadd.s32 @!p0 $0xFFFFC000  }
0x58: {  	[tilespmem:s10], [sflag:$0x2] =	stream.linear.gather @!p0 [hbm4b:s18+s9], $0x4000, $0x38;
	[tilespmem:$0x1DE20] =	vst v63  }
0x59: {  	_ =	swait.ge [sflag:s31], $0x4000  }
0x5a: {  	[sflag:s31] =	ssyncset.done $0x0  }
0x5b: {  	[sflag:s31] =	ssyncadd.s32 $0xFFFFC000  }
0x5c: {  	[spmem:s19] =	stream.linear.scatter [tilespmem:s0], [sflag:$0x2], $0x4000, $0x38;
	[tilespmem:$0x1DE20] =	vst v63  }
0x5d: {  	_ =	swait.ge [sflag:s31], $0x4000  }
0x5e: {  	s12 =	sand.u32 $0x1, s3;
	[sflag:s31] =	ssyncset.done $0x0  }
0x5f: {  	p1 =	seq.s32 s12, $0x1;
	s9 =	simm.s32 $0x1B620;
	[sflag:s31] =	ssyncadd.s32 $0xFFFFC000  }
0x60: {  	s9 =	simm.s32 @!p1 $0x18E20;
	[bflag:$0x0] =	sbarrier.arrive $0xFFFF  }
0x61: {  	[tilespmem:s9], [sflag:$0x1] =	stream.indirect.gather [hbm4b:s4+s5], $0x80, s30, s5, $0xb8;
	[tilespmem:$0x1DE20] =	vst v63  }
0x62: {  	_ =	swait.ge [sflag:s6], $0x2800  }
0x63: {  	s13 =	simm.s32 $0x1;
	[sflag:s6] =	ssyncset.done $0x0  }
0x64: {  	s14 =	sand.u32 $0x1, s13;
	[sflag:s6] =	ssyncadd.s32 $0xFFFFD800  }
0x65: {  	[spmem:s2] =	stream.indirect.scatter.add.f32 [tilespmem:s9], [sflag:$0x2], $0x80, s1, s5, $0xb8;
	[tilespmem:$0x1DE20] =	vst v63  }
0x66: {  	p2 =	seq.s32 s14, $0x1;
	s11 =	simm.s32 $0x2;
	_ =	swait.ge [sflag:s31], $0x2800  }
0x67: {  	s10 =	simm.s32 $0x14050;
	s9 =	simm.s32 $0x16760;
	[sflag:s31] =	ssyncset.done $0x0  }
.LBB2_2:
0x68: {  	s12 =	simm.s32 $0x1B620;
	[sflag:s31] =	ssyncadd.s32 $0xFFFFD800  }
0x69: {  	s13 =	smov.u32 s11;
	s14 =	sadd.s32 $0x1, s11;
	s12 =	simm.s32 @!p2 $0x18E20  }
0x6a: {  	[tilespmem:s12], [sflag:$0x1] =	stream.indirect.gather [hbm4b:s4+s5], $0x80, s10, s5, $0xb8;
	[tilespmem:$0x1DE20] =	vst v63  }
0x6b: {  	p1 =	sne.s32 s11, $0x7C;
	_ =	swait.ge [sflag:s6], $0x2800  }
.Ltmp0:
0x6c: {  	[sflag:s6] =	ssyncset.done $0x0;
	(pc) =	sbr.rel @p1 .LBB2_2-.Ltmp0, $4  }
0x6d: {  	s11 =	sand.u32 $0x1, s13;
	[sflag:s6] =	ssyncadd.s32 $0xFFFFD800  }
0x6e: {  	[spmem:s2] =	stream.indirect.scatter.add.f32 [tilespmem:s12], [sflag:$0x2], $0x80, s9, s5, $0xb8;
	[tilespmem:$0x1DE20] =	vst v63  }
0x6f: {  	s10 =	sadd.s32 $0x50, s10;
	p2 =	seq.s32 s11, $0x1;
	_ =	swait.ge [sflag:s31], $0x2800  }
0x70: {  	s11 =	smov.u32 s14;
	s9 =	sadd.s32 $0x50, s9;
	[sflag:s31] =	ssyncset.done $0x0  }
0x71: {  	s11 =	simm.s32 $0x1B620  }
0x72: {  	[sflag:s31] =	ssyncadd.s32 $0xFFFFD800;
	s11 =	simm.s32 @!p2 $0x18E20  }
0x73: {  	[tilespmem:s11], [sflag:$0x1] =	stream.indirect.gather [hbm4b:s4+s5], $0x80, s10, s5, $0xb8;
	[tilespmem:$0x1DE20] =	vst v63  }
0x74: {  	_ =	swait.ge [sflag:s6], $0x2800  }
0x75: {  	[sflag:s6] =	ssyncset.done $0x0  }
0x76: {  	[sflag:s6] =	ssyncadd.s32 $0xFFFFD800  }
0x77: {  	[spmem:s2] =	stream.indirect.scatter.add.f32 [tilespmem:s11], [sflag:$0x2], $0x80, s9, s5, $0xb8;
	[tilespmem:$0x1DE20] =	vst v63  }
0x78: {  	_ =	swait.ge [sflag:s31], $0x2800  }
0x79: {  	[sflag:s31] =	ssyncset.done $0x0  }
0x7a: {  	[sflag:s31] =	ssyncadd.s32 $0xFFFFD800  }
0x7b: {  	[bflag:$0x0] =	sbarrier.arrive $0xFFFF  }
0x7c: {  	[tilespmem:s0], [sflag:$0x2] =	stream.linear.gather [spmem:s8], $0x4000, $0x38;
	[tilespmem:$0x1DE20] =	vst v63  }
0x7d: {  	_ =	swait.ge [sflag:s31], $0x4000  }
0x7e: {  	[sflag:s31] =	ssyncset.done $0x0  }
0x7f: {  	[sflag:s31] =	ssyncadd.s32 $0xFFFFC000  }
0x80: {  	[hbm4b:s21+s3] =	stream.linear.scatter [tilespmem:s0], [sflag:$0x2], $0x4000, $0x38;
	[tilespmem:$0x1DE20] =	vst v63  }
0x81: {  	_ =	swait.ge [sflag:s31], $0x4000  }
0x82: {  	[sflag:s31] =	ssyncset.done $0x0  }
0x83: {  	[sflag:s31] =	ssyncadd.s32 $0xFFFFC000  }
0x84: {  	[tilespmem:s0], [sflag:$0x2] =	stream.linear.gather [spmem:s26], $0x4000, $0x38;
	[tilespmem:$0x1DE20] =	vst v63  }
0x85: {  	_ =	swait.ge [sflag:s31], $0x4000  }
0x86: {  	[sflag:s31] =	ssyncset.done $0x0  }
0x87: {  	[sflag:s31] =	ssyncadd.s32 $0xFFFFC000  }
0x88: {  	[hbm4b:s22+s3] =	stream.linear.scatter [tilespmem:s0], [sflag:$0x2], $0x4000, $0x38;
	[tilespmem:$0x1DE20] =	vst v63  }
0x89: {  	_ =	swait.ge [sflag:s31], $0x4000  }
0x8a: {  	[sflag:s31] =	ssyncset.done $0x0  }
0x8b: {  	[sflag:s31] =	ssyncadd.s32 $0xFFFFC000  }
0x8c: {  	[tilespmem:s0], [sflag:$0x2] =	stream.linear.gather [spmem:s28], $0x4000, $0x38;
	[tilespmem:$0x1DE20] =	vst v63  }
0x8d: {  	_ =	swait.ge [sflag:s31], $0x4000  }
0x8e: {  	[sflag:s31] =	ssyncset.done $0x0  }
0x8f: {  	[sflag:s31] =	ssyncadd.s32 $0xFFFFC000  }
0x90: {  	[hbm4b:s23+s3] =	stream.linear.scatter [tilespmem:s0], [sflag:$0x2], $0x4000, $0x38;
	[tilespmem:$0x1DE20] =	vst v63  }
0x91: {  	_ =	swait.ge [sflag:s31], $0x4000  }
0x92: {  	[sflag:s31] =	ssyncset.done $0x0  }
0x93: {  	[sflag:s31] =	ssyncadd.s32 $0xFFFFC000  }
0x94: {  	[tilespmem:s0], [sflag:$0x2] =	stream.linear.gather [spmem:s29], $0x4000, $0x38;
	[tilespmem:$0x1DE20] =	vst v63  }
0x95: {  	_ =	swait.ge [sflag:s31], $0x4000  }
0x96: {  	[sflag:s31] =	ssyncset.done $0x0  }
0x97: {  	[sflag:s31] =	ssyncadd.s32 $0xFFFFC000  }
0x98: {  	[hbm4b:s24+s3] =	stream.linear.scatter [tilespmem:s0], [sflag:$0x2], $0x4000, $0x38;
	[tilespmem:$0x1DE20] =	vst v63  }
0x99: {  	_ =	swait.ge [sflag:s31], $0x4000  }
0x9a: {  	[sflag:s31] =	ssyncset.done $0x0  }
0x9b: {  	[sflag:s31] =	ssyncadd.s32 $0xFFFFC000  }
0x9c: {  	[tilespmem:s0], [sflag:$0x2] =	stream.linear.gather [spmem:s20], $0x4000, $0x38;
	[tilespmem:$0x1DE20] =	vst v63  }
0x9d: {  	_ =	swait.ge [sflag:s31], $0x4000  }
0x9e: {  	[sflag:s31] =	ssyncset.done $0x0  }
0x9f: {  	[sflag:s31] =	ssyncadd.s32 $0xFFFFC000  }
0xa0: {  	[hbm4b:s25+s3] =	stream.linear.scatter [tilespmem:s0], [sflag:$0x2], $0x4000, $0x38;
	[tilespmem:$0x1DE20] =	vst v63  }
0xa1: {  	_ =	swait.ge [sflag:s31], $0x4000  }
0xa2: {  	s7 =	sadd.s32 $0x1, s7;
	s14 =	rddreg [dreg:$0x7]  }
0xa3: {  	p1 =	sne.s32 s7, s14  }
.Ltmp1:
0xa4: {  	_ = 	snop;
	(pc) =	sbr.rel @p1 .LBB2_1-.Ltmp1, $3  }
0xa5: {  	_ =	sdelay $0x1  }
0xa6: {  	[sflag:s31] =	ssyncset.done $0x0  }
0xa7: {  	[sflag:s31] =	ssyncadd.s32 $0xFFFFC000  }
0xa8: {  	_ =	sfence.sel $0x180000  }
0xa9: {  	[bflag:$0x0] =	sbarrier.arrive $0xFFFF  }
0xaa: {  	_ =	strace $0x9000004A  }
0xab: {  	s0 =	stileid.u32;
	[bflag:$0x2] =	sbarrier.arrive $0xFFFF  }
0xac: {  	p0 =	sne.s32 s0, $0x0;
	s0 =	rddreg [dreg:$0x3]  }
0xad: {  	s0 =	sadd.s32 @!p0 $0x100000, s0  }
0xae: {  	[sflag:s0] =	ssyncadd.tile.s32 @!p0 $0x1;
	_ =	shalt  }
.Lfunc_end2:
_tile_overlayer_lowered:
.L_overlay_start_2:
0xaf: {  	(tag) =	ssettag $0x2  }
0xb0: {  	s0 =	rddreg [dreg:$0x0];
	s2 =	stileid.u32  }
0xb1: {  	s1 =	rddreg [dreg:$0x1];
	p0 =	sne.s32 s2, $0x0  }
0xb2: {  	s3 =	rddreg [dreg:$0x2];
	[bflag:$0x3] =	sbarrier.arrive $0xFFFF;
	s2 =	simm.s32 @!p0 $0x1C02  }
0xb3: {  	[timem:s3], [sflag:s2] =	dma.local @!p0 [hbm:s0], s1  }
0xb4: {  	s0 =	simm.s32 @!p0 $0x2  }
0xb5: {  	_ =	swait.ge @!p0 [sflag:s0], s1  }
0xb6: {  	s1 =	ssub.s32 @!p0 $0x0, s1;
	[sflag:s0] =	ssyncset.done @!p0 $0x0  }
0xb7: {  	[sflag:s0] =	ssyncadd.s32 @!p0 s1  }
0xb8: {  	[bflag:$0x3] =	sbarrier.arrive $0xFFFF  }
0xb9: {  	_ =	shalt  }

// kernel: kernel.14.cloned.1.call-start
scs
__scs_entry_jumppad:
0x0: {  	(pc) =	sbr.rel $0x88, $3  }
0x1: {  	(tag) =	ssettag $0x0;
	lr =	simm.s32 $0x1  }
0x2: {  	[smem:$0x3F99] =	sst lr;
	_ =	strace $0xD0000000  }
0x3: {  	_ = 	snop  }
0x4: {  	_ = 	snop  }
0x5: {  	_ = 	snop  }
0x6: {  	_ = 	snop  }
0x7: {  	_ = 	snop  }
__scs_overlays_trampoline_lowered:
0x8: {  	[smem:$0x3FA8] =	sst s0  }
0x9: {  	[smem:$0x3FA9] =	sst s1  }
0xa: {  	[smem:$0x3FAA] =	sst s2  }
0xb: {  	[smem:$0x3FAB] =	sst s3  }
0xc: {  	[smem:$0x3FAC] =	sst s4  }
0xd: {  	[smem:$0x3FAD] =	sst s5  }
0xe: {  	[smem:$0x3FAE] =	sst s6  }
0xf: {  	[smem:$0x3FAF] =	sst s7  }
0x10: {  	[smem:$0x3FB0] =	sst s8  }
0x11: {  	[smem:$0x3FB1] =	sst s9;
	s0 =	simm.s32 @!p0 $0x0  }
0x12: {  	s1 =	sld [smem:$0x3F97];
	s0 =	simm.s32 @p0 $0x1  }
0x13: {  	[smem:$0x3FB2] =	sst s0;
	s0 =	simm.s32 @!p1 $0x0  }
0x14: {  	s2 =	sld [smem:$0x3F96];
	s0 =	simm.s32 @p1 $0x1  }
0x15: {  	[smem:$0x3FB3] =	sst s0;
	s0 =	simm.s32 @!p2 $0x0  }
0x16: {  	s3 =	sld [smem:$0x3FDB];
	s0 =	simm.s32 @p2 $0x1  }
0x17: {  	s4 =	simm.s32 $0x1BF5;
	[smem:$0x3FB5] =	sst s0  }
0x18: {  	s0 =	sld [smem:$0x3F98];
	_ =	swait.ge [sflag:s4], $0x0  }
0x19: {  	s7 =	sld [smem:$0x3F99]  }
0x1a: {  	s8 =	sadd.s32 $0xFFFFE003, lr  }
0x1b: {  	s9 =	sadd.s32 $0xFFFFFEF7, lr;
	s5 =	simm.s32 $0xFFFFFFFF;
	p2 =	slt.u32 s8, $0xFFFFF086  }
0x1c: {  	p1 =	slt.u32 s9, $0xF7A;
	s5 =	simm.s32 @!p2 $0x0  }
0x1d: {  	s5 =	simm.s32 @p1 $0x1;
	p0 =	seq.s32 s7, s2  }
0x1e: {  	s7 =	smul.u32 @!p0 $0xF7A, s2;
	p2 =	seq.s32 @!p0 s5, $0x0  }
0x1f: {  	s9 =	smul.u32 $0xF7A, s1;
	s8 =	simm.s32 @!p0 $0x1BF5;
	p2 =	por !p2, p0  }
0x20: {  	[sflag:s8] =	ssyncset.s32 @!p0 $0xFFFFF086;
	s6 =	sadd.s32 @!p0 s3, s7;
	s7 =	simm.s32 @!p0 $0x108  }
0x21: {  	s3 =	sadd.s32 s3, s9;
	s6 =	sadd.s32 @!p0 $0x88, s6;
	s7 =	simm.s32 @p2 $0x1082  }
0x22: {  	[simem:s7], [sflag:s8] =	dma.local @!p0 [hbm:s6], $0xF7A  }
0x23: {  	s9 =	sor.u32 $0xD0000000, s2;
	s6 =	simm.s32 $0x108;
	_ =	swait.ge @!p0 [sflag:s8], $0x0  }
0x24: {  	s3 =	sadd.s32 $0x88, s3;
	s6 =	simm.s32 @!p1 $0x1082;
	[sflag:s4] =	ssyncset.s32 $0xFFFFF086  }
0x25: {  	[simem:s6], [sflag:s4] =	dma.local [hbm:s3], $0xF7A  }
0x26: {  	[smem:$0x3F99] =	sst s1;
	(tag) =	ssettag s2;
	_ =	strace s9  }
0x27: {  	s1 =	sld [smem:$0x3FA9]  }
0x28: {  	s2 =	sld [smem:$0x3FAA]  }
0x29: {  	s4 =	sld [smem:$0x3FAC]  }
0x2a: {  	p0 =	seq.s32 s5, $0x0;
	s5 =	sld [smem:$0x3FAD]  }
0x2b: {  	s6 =	sld [smem:$0x3FAE]  }
0x2c: {  	s7 =	sld [smem:$0x3FAF]  }
0x2d: {  	s3 =	simm.s32 $0x108;
	s8 =	sld [smem:$0x3FB0]  }
0x2e: {  	s3 =	simm.s32 @!p0 $0x1082;
	s9 =	sld [smem:$0x3FB1]  }
0x2f: {  	lr =	sadd.s32 s0, s3;
	s0 =	sld [smem:$0x3FA8]  }
0x30: {  	s3 =	sld [smem:$0x3FAB]  }
0x31: {  	[smem:$0x3FB4] =	sst s10  }
0x32: {  	s10 =	sld [smem:$0x3FB2];
	_ =	sdelay $0x3  }
0x33: {  	p0 =	seq.s32 s10, $0x1;
	s10 =	sld [smem:$0x3FB4];
	_ =	sdelay $0x3  }
0x34: {  	[smem:$0x3FB4] =	sst s10  }
0x35: {  	s10 =	sld [smem:$0x3FB3];
	_ =	sdelay $0x3  }
0x36: {  	p1 =	seq.s32 s10, $0x1;
	s10 =	sld [smem:$0x3FB4];
	_ =	sdelay $0x3  }
0x37: {  	[smem:$0x3FB4] =	sst s10  }
0x38: {  	s10 =	sld [smem:$0x3FB5]  }
0x39: {  	_ = 	snop;
	(pc) =	sbr.ind lr, $3  }
0x3a: {  	_ = 	snop  }
0x3b: {  	_ = 	snop  }
0x3c: {  	p2 =	seq.s32 s10, $0x1;
	s10 =	sld [smem:$0x3FB4]  }
0x3d: {  	_ =	shalt  }
0x3e: {  	_ =	shalt  }
0x3f: {  	_ =	shalt  }
0x40: {  	_ =	shalt  }
0x41: {  	_ =	shalt  }
0x42: {  	_ =	shalt  }
0x43: {  	_ =	shalt  }
0x44: {  	_ =	shalt  }
0x45: {  	_ =	shalt  }
0x46: {  	_ =	shalt  }
0x47: {  	_ =	shalt  }
0x48: {  	_ =	shalt  }
0x49: {  	_ =	shalt  }
0x4a: {  	_ =	shalt  }
0x4b: {  	_ =	shalt  }
0x4c: {  	_ =	shalt  }
0x4d: {  	_ =	shalt  }
0x4e: {  	_ =	shalt  }
0x4f: {  	_ =	shalt  }
0x50: {  	_ =	shalt  }
0x51: {  	_ =	shalt  }
0x52: {  	_ =	shalt  }
0x53: {  	_ =	shalt  }
0x54: {  	_ =	shalt  }
0x55: {  	_ =	shalt  }
0x56: {  	_ =	shalt  }
0x57: {  	_ =	shalt  }
0x58: {  	_ =	shalt  }
0x59: {  	_ =	shalt  }
0x5a: {  	_ =	shalt  }
0x5b: {  	_ =	shalt  }
0x5c: {  	_ =	shalt  }
0x5d: {  	_ =	shalt  }
0x5e: {  	_ =	shalt  }
0x5f: {  	_ =	shalt  }
0x60: {  	_ =	shalt  }
0x61: {  	_ =	shalt  }
0x62: {  	_ =	shalt  }
0x63: {  	_ =	shalt  }
0x64: {  	_ =	shalt  }
0x65: {  	_ =	shalt  }
0x66: {  	_ =	shalt  }
0x67: {  	_ =	shalt  }
0x68: {  	_ =	shalt  }
0x69: {  	_ =	shalt  }
0x6a: {  	_ =	shalt  }
0x6b: {  	_ =	shalt  }
0x6c: {  	_ =	shalt  }
0x6d: {  	_ =	shalt  }
0x6e: {  	_ =	shalt  }
0x6f: {  	_ =	shalt  }
0x70: {  	_ =	shalt  }
0x71: {  	_ =	shalt  }
0x72: {  	_ =	shalt  }
0x73: {  	_ =	shalt  }
0x74: {  	_ =	shalt  }
0x75: {  	_ =	shalt  }
0x76: {  	_ =	shalt  }
0x77: {  	_ =	shalt  }
0x78: {  	_ =	shalt  }
0x79: {  	_ =	shalt  }
0x7a: {  	_ =	shalt  }
0x7b: {  	_ =	shalt  }
0x7c: {  	_ =	shalt  }
0x7d: {  	_ =	shalt  }
0x7e: {  	_ =	shalt  }
0x7f: {  	_ =	shalt  }
0x80: {  	_ =	shalt  }
0x81: {  	_ =	shalt  }
0x82: {  	_ =	shalt  }
0x83: {  	_ =	shalt  }
0x84: {  	_ =	shalt  }
0x85: {  	_ =	shalt  }
0x86: {  	_ =	shalt  }
0x87: {  	_ =	shalt  }
.Lfunc_end0:
.L_simem_size_0:
called_computation.2_lowered:
.L_overlay_start_0:
0x88: {  	s2 =	sld [smem:$0x3FD9]  }
0x89: {  	s3 =	sld [smem:$0x3FFE];
	_ =	sdelay $0x1  }
0x8a: {  	s1 =	srdreg.scid  }
0x8b: {  	s0 =	sand.u32 $0x1, s1  }
0x8c: {  	s17 =	sshll.u32 s0, $0xA;
	s2 =	sadd.s32 s3, s2  }
0x8d: {  	s2 =	sadd.s32 s2, s17  }
0x8e: {  	[smem:$0x3FC0] =	sst s2  }
0x8f: {  	_ = 	snop  }
0x90: {  	s2 =	sld [smem:$0x3FD0];
	(tm) =	ssettm $0x1  }
0x91: {  	s18 =	sld [smem:$0x3FFB];
	_ =	sdelay $0x3  }
0x92: {  	_ =	strace s18  }
0x93: {  	s3 =	sld [smem:$0x3FFC];
	_ =	sdelay $0x3  }
0x94: {  	_ =	strace s3  }
0x95: {  	s3 =	sld [smem:$0x3FFD];
	_ =	sdelay $0x3  }
0x96: {  	_ =	strace s3  }
0x97: {  	_ =	strace $0x8FFFFFFF  }
0x98: {  	s19 =	sld [smem:$0x3FDB];
	_ =	sdelay $0x1  }
0x99: {  	s4 =	simm.s32 $_scs_section_size  }
0x9a: {  	s5 =	simm.s32 $_size__tile_overlayer_lowered;
	s6 =	simm.s32 $_tile_overlayer_lowered  }
0x9b: {  	s22 =	simm.s32 $0x1BFF;
	s21 =	sshll.u32 s6, $0x1;
	s3 =	sadd.s32 s4, s19  }
0x9c: {  	s7 =	simm.s32 $0x0;
	s20 =	sshll.u32 s5, $0x1;
	s5 =	sadd.s32 s21, s3  }
0x9d: {  	[timem:s7], [sflag:s22] =	dma.local [hbm:s5], s20  }
0x9e: {  	_ =	swait.ge [sflag:s22], s20  }
0x9f: {  	s4 =	ssub.s32 $0x0, s20;
	[sflag:s22] =	ssyncset.done $0x0  }
0xa0: {  	[sflag:s22] =	ssyncadd.s32 s4;
	_ =	sdelay $0x1  }
0xa1: {  	s23 =	simm.s32 $0x1B8B  }
0xa2: {  	_ =	swait.ge [sflag:s23], $0x1  }
0xa3: {  	[sflag:s23] =	ssyncset.done $0x0  }
0xa4: {  	s25 =	simm.s32 $0x1B8E;
	s24 =	sld [smem:$0x3FFE];
	[sflag:s23] =	ssyncadd.s32 $0xFFFFFFFF  }
0xa5: {  	s26 =	simm.s32 $execute0_lowered;
	[smem:$0x3FD2] =	sst s25  }
0xa6: {  	s5 =	sshll.u32 s26, $0x1;
	_ =	strace $0x8000004C;
	[dreg:$0x1] =	wrdreg $0xFFFFFFFF  }
0xa7: {  	s28 =	simm.s32 $_size_execute0_lowered;
	s3 =	sadd.s32 s3, s5;
	[dreg:$0x0] =	wrdreg $0x0  }
0xa8: {  	s5 =	sshll.u32 s28, $0x1;
	[dreg:$0x2] =	wrdreg s3  }
0xa9: {  	[dreg:$0x3] =	wrdreg s5  }
0xaa: {  	[dreg:$0x4] =	wrdreg $0xC0  }
0xab: {  	_ =	task [dreg:s7], $0x5FFFF  }
0xac: {  	[dreg:$0x1] =	wrdreg $0xFFFFFFFF  }
0xad: {  	[dreg:$0x0] =	wrdreg $0x60  }
0xae: {  	[dreg:$0x2] =	wrdreg s24  }
0xaf: {  	[dreg:$0x3] =	wrdreg s2  }
0xb0: {  	[dreg:$0x4] =	wrdreg $0x0  }
0xb1: {  	[dreg:$0x5] =	wrdreg $0x9  }
0xb2: {  	_ =	task.clear_ibuf [dreg:s7], $0x6FFFF;
	_ =	strace $0x9000004C  }
0xb3: {  	s29 =	simm.s32 $0x9;
	_ =	strace $0x8000004E  }
0xb4: {  	_ =	swait.ge [sflag:s29], $0x1  }
0xb5: {  	[sflag:s29] =	ssyncadd.s32 $0xFFFFFFFF  }
0xb6: {  	_ =	strace $0x9000004E  }
0xb7: {  	_ =	sfence  }
0xb8: {  	s30 =	sld [smem:$0x0];
	_ =	sdelay $0x2  }
0xb9: {  	s31 =	sshll.u32 s1, $0xD;
	s1 =	sshrl.u32 s1, $0x2  }
0xba: {  	s3 =	sand.u32 $0x4000, s31;
	s1 =	sadd.s32 s1, s30  }
0xbb: {  	s0 =	sor.u32 s3, s0;
	s1 =	sshll.u32 s1, $0x11  }
0xbc: {  	s0 =	sor.u32 s1, s0  }
0xbd: {  	s0 =	sadd.s32 $0x8F2B, s0  }
0xbe: {  	[sflag:s0] =	ssyncadd.remote.s32 $0x1  }
0xbf: {  	_ =	sfence.sel $0xFFFF  }
0xc0: {  	[dreg:$0x0] =	wrdreg $0xFFFFFFFF;
	(pc) =	sbr.abs _section_cstart, $3  }
0xc1: {  	[dreg:$0x1] =	wrdreg $0xFFFFFFFF  }
0xc2: {  	_ =	task.clear_ibuf [dreg:s7], $0x2FFFF;
	_ =	strace $0x9FFFFFFF  }
0xc3: {  	(tm) =	ssettm $0x7FFFFFFF  }
tec
execute0_lowered:
.L_overlay_start_1:
0x0: {  	(tag) =	ssettag $0x1  }
0x1: {  	s0 =	srdreg.scid;
	s1 =	rddreg [dreg:$0x0]  }
0x2: {  	s12 =	stileid.u32;
	s5 =	rddreg [dreg:$0x1]  }
0x3: {  	s30 =	simm.s32 $0x14000;
	s31 =	simm.s32 $0x2;
	s7 =	smul.u32 $0x280, s12  }
0x4: {  	s0 =	sand.u32 $0x1, s0;
	s4 =	sadd.s32 $0xC000, s1;
	s11 =	smul.u32 $0x50000, s12  }
0x5: {  	s10 =	sadd.s32 $0x34000, s1;
	s13 =	smul.u32 $0x14000, s12;
	s2 =	sshll.u32 s0, $0x4  }
0x6: {  	s8 =	smul.u32 $0x2800, s0;
	s25 =	ssub.s32 $0x2, s0;
	p0 =	seq.s32 s0, $0x1  }
0x7: {  	s3 =	sor.u32 s12, s2;
	s2 =	rddreg [dreg:$0x2];
	s26 =	sshrl.u32 s25, $0x1  }
0x8: {  	s15 =	sshrl.u32 s11, $0x2;
	s16 =	sshrl.u32 s13, $0x3;
	s18 =	sadd.s32 $0x4000, s13  }
0x9: {  	s21 =	sadd.s32 $0x8000, s13;
	s23 =	sadd.s32 $0xC000, s13;
	s24 =	sadd.s32 $0x10000, s13  }
0xa: {  	s6 =	smul.u32 $0x4E2, s3;
	s3 =	simm.s32 $0x0;
	s7 =	sadd.s32 s8, s7  }
0xb: {  	s8 =	sadd.s32 s15, s2;
	s0 =	sadd.s32 s4, s16;
	s19 =	sadd.s32 s13, s2  }
0xc: {  	s20 =	sshrl.u32 s18, $0x3;
	s22 =	sshrl.u32 s21, $0x3;
	s15 =	sadd.s32 s21, s2  }
0xd: {  	[smem:$0x7FF] =	sst s3;
	s7 =	sshll.u32 s7, $0x4;
	s28 =	sadd.s32 $0x8000, s8  }
0xe: {  	s29 =	sadd.s32 $0xC000, s8;
	_ =	strace $0x8000004D;
	[dreg:$0x4] =	wrdreg s10  }
0xf: {  	s9 =	sadd.s32 s6, s1;
	s1 =	sadd.s32 s7, s1;
	[dreg:$0x8] =	wrdreg s0  }
0x10: {  	s10 =	ssub.s32 s25, s26;
	s5 =	sadd.s32 s5, s6;
	[dreg:$0x9] =	wrdreg s19  }
0x11: {  	s0 =	sadd.s32 s18, s2;
	s25 =	sshrl.u32 s23, $0x3;
	s26 =	sshrl.u32 s24, $0x3  }
0x12: {  	s19 =	sadd.s32 s24, s2;
	s6 =	simm.s32 $0x1;
	s7 =	simm.s32 $0x0  }
0x13: {  	[dreg:$0x5] =	wrdreg s5;
	s14 =	sadd.s32 $0x2200, s9;
	s17 =	smax.u32 s10, $0x1  }
0x14: {  	s5 =	sadd.s32 s4, s20;
	[dreg:$0xb] =	wrdreg s0;
	s0 =	sadd.s32 s4, s22  }
0x15: {  	s16 =	sadd.s32 s4, s25;
	s18 =	sadd.s32 s4, s26;
	[dreg:$0x6] =	wrdreg s14  }
0x16: {  	s20 =	sadd.s32 $0x10000, s8;
	s21 =	sadd.s32 $0x34800, s1;
	[dreg:$0x7] =	wrdreg s17  }
0x17: {  	s22 =	sadd.s32 $0x35000, s1;
	s24 =	sadd.s32 $0x36000, s1;
	[dreg:$0xa] =	wrdreg s5  }
0x18: {  	s25 =	sadd.s32 $0x36800, s1;
	s26 =	sadd.s32 $0x4000, s8;
	[dreg:$0xc] =	wrdreg s0  }
0x19: {  	s17 =	sadd.s32 s23, s2;
	s23 =	sadd.s32 $0x35800, s1;
	s19 =	smov.u32 @p0 s20  }
0x1a: {  	s1 =	simm.s32 $0x16710;
	s0 =	simm.s32 $0x18E20;
	s5 =	simm.s32 $0x50  }
.LBB2_1:
0x1b: {  	s9 =	rddreg [dreg:$0x5]  }
0x1c: {  	[tilespmem:s30], [sflag:$0x2] =	stream.linear.gather [hbm4b:s9+s3], $0x2710, $0x38;
	[tilespmem:$0x1DE20] =	vst v63  }
0x1d: {  	_ =	swait.ge [sflag:s31], $0x2710  }
0x1e: {  	[sflag:s31] =	ssyncset.done $0x0  }
0x1f: {  	s11 =	rddreg [dreg:$0x6];
	[sflag:s31] =	ssyncadd.s32 $0xFFFFD8F0  }
0x20: {  	[tilespmem:s1], [sflag:$0x2] =	stream.linear.gather [hbm4b:s11+s3], $0x2710, $0x38;
	[tilespmem:$0x1DE20] =	vst v63  }
0x21: {  	_ =	swait.ge [sflag:s31], $0x2710  }
0x22: {  	s10 =	simm.s32 @p0 $0x18E20;
	[sflag:s31] =	ssyncset.done $0x0  }
0x23: {  	s9 =	simm.s32 @p0 $0x0;
	s11 =	rddreg [dreg:$0x4];
	[sflag:s31] =	ssyncadd.s32 $0xFFFFD8F0  }
0x24: {  	[tilespmem:s10], [sflag:$0x2] =	stream.linear.gather @p0 [hbm4b:s11+s9], $0x4000, $0x38;
	[tilespmem:$0x1DE20] =	vst v63  }
0x25: {  	s9 =	simm.s32 @p0 $0x2  }
0x26: {  	_ =	swait.ge @p0 [sflag:s9], $0x4000  }
0x27: {  	[sflag:s9] =	ssyncset.done @p0 $0x0  }
0x28: {  	[sflag:s9] =	ssyncadd.s32 @p0 $0xFFFFC000  }
0x29: {  	[spmem:s8] =	stream.linear.scatter @p0 [tilespmem:s10], [sflag:$0x2], $0x4000, $0x38;
	[tilespmem:$0x1DE20] =	vst v63  }
0x2a: {  	_ =	swait.ge @p0 [sflag:s9], $0x4000  }
0x2b: {  	[sflag:s9] =	ssyncset.done @p0 $0x0  }
0x2c: {  	[sflag:s9] =	ssyncadd.s32 @p0 $0xFFFFC000  }
0x2d: {  	[spmem:s26] =	stream.linear.scatter @p0 [tilespmem:s10], [sflag:$0x2], $0x4000, $0x38;
	[tilespmem:$0x1DE20] =	vst v63  }
0x2e: {  	_ =	swait.ge @p0 [sflag:s9], $0x4000  }
0x2f: {  	[sflag:s9] =	ssyncset.done @p0 $0x0  }
0x30: {  	[sflag:s9] =	ssyncadd.s32 @p0 $0xFFFFC000  }
0x31: {  	[spmem:s28] =	stream.linear.scatter @p0 [tilespmem:s10], [sflag:$0x2], $0x4000, $0x38;
	[tilespmem:$0x1DE20] =	vst v63  }
0x32: {  	_ =	swait.ge @p0 [sflag:s9], $0x4000  }
0x33: {  	[sflag:s9] =	ssyncset.done @p0 $0x0  }
0x34: {  	[sflag:s9] =	ssyncadd.s32 @p0 $0xFFFFC000  }
0x35: {  	[spmem:s29] =	stream.linear.scatter @p0 [tilespmem:s10], [sflag:$0x2], $0x4000, $0x38;
	[tilespmem:$0x1DE20] =	vst v63  }
0x36: {  	s11 =	rddreg [dreg:$0x8];
	s9 =	simm.s32 @!p0 $0x0;
	s10 =	simm.s32 @!p0 $0x18E20  }
0x37: {  	[tilespmem:s10], [sflag:$0x2] =	stream.linear.gather @!p0 [hbm4b:s11+s9], $0x4000, $0x38;
	[tilespmem:$0x1DE20] =	vst v63  }
0x38: {  	s11 =	simm.s32 @!p0 $0x2  }
0x39: {  	_ =	swait.ge @!p0 [sflag:s11], $0x4000  }
0x3a: {  	[sflag:s11] =	ssyncset.done @!p0 $0x0  }
0x3b: {  	s12 =	rddreg [dreg:$0x9];
	[sflag:s11] =	ssyncadd.s32 @!p0 $0xFFFFC000  }
0x3c: {  	[spmem:s12] =	stream.linear.scatter @!p0 [tilespmem:s10], [sflag:$0x2], $0x4000, $0x38;
	[tilespmem:$0x1DE20] =	vst v63  }
0x3d: {  	_ =	swait.ge @!p0 [sflag:s11], $0x4000  }
0x3e: {  	[sflag:s11] =	ssyncset.done @!p0 $0x0  }
0x3f: {  	s12 =	rddreg [dreg:$0xa];
	[sflag:s11] =	ssyncadd.s32 @!p0 $0xFFFFC000  }
0x40: {  	[tilespmem:s10], [sflag:$0x2] =	stream.linear.gather @!p0 [hbm4b:s12+s9], $0x4000, $0x38;
	[tilespmem:$0x1DE20] =	vst v63  }
0x41: {  	_ =	swait.ge @!p0 [sflag:s11], $0x4000  }
0x42: {  	[sflag:s11] =	ssyncset.done @!p0 $0x0  }
0x43: {  	s12 =	rddreg [dreg:$0xb];
	[sflag:s11] =	ssyncadd.s32 @!p0 $0xFFFFC000  }
0x44: {  	[spmem:s12] =	stream.linear.scatter @!p0 [tilespmem:s10], [sflag:$0x2], $0x4000, $0x38;
	[tilespmem:$0x1DE20] =	vst v63  }
0x45: {  	_ =	swait.ge @!p0 [sflag:s11], $0x4000  }
0x46: {  	[sflag:s11] =	ssyncset.done @!p0 $0x0  }
0x47: {  	s12 =	rddreg [dreg:$0xc];
	[sflag:s11] =	ssyncadd.s32 @!p0 $0xFFFFC000  }
0x48: {  	[tilespmem:s10], [sflag:$0x2] =	stream.linear.gather @!p0 [hbm4b:s12+s9], $0x4000, $0x38;
	[tilespmem:$0x1DE20] =	vst v63  }
0x49: {  	_ =	swait.ge @!p0 [sflag:s11], $0x4000  }
0x4a: {  	[sflag:s11] =	ssyncset.done @!p0 $0x0  }
0x4b: {  	[sflag:s11] =	ssyncadd.s32 @!p0 $0xFFFFC000  }
0x4c: {  	[spmem:s15] =	stream.linear.scatter @!p0 [tilespmem:s10], [sflag:$0x2], $0x4000, $0x38;
	[tilespmem:$0x1DE20] =	vst v63  }
0x4d: {  	_ =	swait.ge @!p0 [sflag:s11], $0x4000  }
0x4e: {  	[sflag:s11] =	ssyncset.done @!p0 $0x0  }
0x4f: {  	[sflag:s11] =	ssyncadd.s32 @!p0 $0xFFFFC000  }
0x50: {  	[tilespmem:s10], [sflag:$0x2] =	stream.linear.gather @!p0 [hbm4b:s16+s9], $0x4000, $0x38;
	[tilespmem:$0x1DE20] =	vst v63  }
0x51: {  	_ =	swait.ge @!p0 [sflag:s11], $0x4000  }
0x52: {  	[sflag:s11] =	ssyncset.done @!p0 $0x0  }
0x53: {  	[sflag:s11] =	ssyncadd.s32 @!p0 $0xFFFFC000  }
0x54: {  	[spmem:s17] =	stream.linear.scatter @!p0 [tilespmem:s10], [sflag:$0x2], $0x4000, $0x38;
	[tilespmem:$0x1DE20] =	vst v63  }
0x55: {  	_ =	swait.ge @!p0 [sflag:s11], $0x4000  }
0x56: {  	[sflag:s11] =	ssyncset.done @!p0 $0x0  }
0x57: {  	[sflag:s11] =	ssyncadd.s32 @!p0 $0xFFFFC000  }
0x58: {  	[tilespmem:s10], [sflag:$0x2] =	stream.linear.gather @!p0 [hbm4b:s18+s9], $0x4000, $0x38;
	[tilespmem:$0x1DE20] =	vst v63  }
0x59: {  	_ =	swait.ge [sflag:s31], $0x4000  }
0x5a: {  	[sflag:s31] =	ssyncset.done $0x0  }
0x5b: {  	[sflag:s31] =	ssyncadd.s32 $0xFFFFC000  }
0x5c: {  	[spmem:s19] =	stream.linear.scatter [tilespmem:s0], [sflag:$0x2], $0x4000, $0x38;
	[tilespmem:$0x1DE20] =	vst v63  }
0x5d: {  	_ =	swait.ge [sflag:s31], $0x4000  }
0x5e: {  	s12 =	sand.u32 $0x1, s3;
	[sflag:s31] =	ssyncset.done $0x0  }
0x5f: {  	p1 =	seq.s32 s12, $0x1;
	s9 =	simm.s32 $0x1B620;
	[sflag:s31] =	ssyncadd.s32 $0xFFFFC000  }
0x60: {  	s9 =	simm.s32 @!p1 $0x18E20;
	[bflag:$0x0] =	sbarrier.arrive $0xFFFF  }
0x61: {  	[tilespmem:s9], [sflag:$0x1] =	stream.indirect.gather [hbm4b:s4+s5], $0x80, s30, s5, $0xb8;
	[tilespmem:$0x1DE20] =	vst v63  }
0x62: {  	_ =	swait.ge [sflag:s6], $0x2800  }
0x63: {  	s13 =	simm.s32 $0x1;
	[sflag:s6] =	ssyncset.done $0x0  }
0x64: {  	s14 =	sand.u32 $0x1, s13;
	[sflag:s6] =	ssyncadd.s32 $0xFFFFD800  }
0x65: {  	[spmem:s2] =	stream.indirect.scatter.add.f32 [tilespmem:s9], [sflag:$0x2], $0x80, s1, s5, $0xb8;
	[tilespmem:$0x1DE20] =	vst v63  }
0x66: {  	p2 =	seq.s32 s14, $0x1;
	s11 =	simm.s32 $0x2;
	_ =	swait.ge [sflag:s31], $0x2800  }
0x67: {  	s10 =	simm.s32 $0x14050;
	s9 =	simm.s32 $0x16760;
	[sflag:s31] =	ssyncset.done $0x0  }
.LBB2_2:
0x68: {  	s12 =	simm.s32 $0x1B620;
	[sflag:s31] =	ssyncadd.s32 $0xFFFFD800  }
0x69: {  	s13 =	smov.u32 s11;
	s14 =	sadd.s32 $0x1, s11;
	s12 =	simm.s32 @!p2 $0x18E20  }
0x6a: {  	[tilespmem:s12], [sflag:$0x1] =	stream.indirect.gather [hbm4b:s4+s5], $0x80, s10, s5, $0xb8;
	[tilespmem:$0x1DE20] =	vst v63  }
0x6b: {  	p1 =	sne.s32 s11, $0x7C;
	_ =	swait.ge [sflag:s6], $0x2800  }
.Ltmp0:
0x6c: {  	[sflag:s6] =	ssyncset.done $0x0;
	(pc) =	sbr.rel @p1 .LBB2_2-.Ltmp0, $4  }
0x6d: {  	s11 =	sand.u32 $0x1, s13;
	[sflag:s6] =	ssyncadd.s32 $0xFFFFD800  }
0x6e: {  	[spmem:s2] =	stream.indirect.scatter.add.f32 [tilespmem:s12], [sflag:$0x2], $0x80, s9, s5, $0xb8;
	[tilespmem:$0x1DE20] =	vst v63  }
0x6f: {  	s10 =	sadd.s32 $0x50, s10;
	p2 =	seq.s32 s11, $0x1;
	_ =	swait.ge [sflag:s31], $0x2800  }
0x70: {  	s11 =	smov.u32 s14;
	s9 =	sadd.s32 $0x50, s9;
	[sflag:s31] =	ssyncset.done $0x0  }
0x71: {  	s11 =	simm.s32 $0x1B620  }
0x72: {  	[sflag:s31] =	ssyncadd.s32 $0xFFFFD800;
	s11 =	simm.s32 @!p2 $0x18E20  }
0x73: {  	[tilespmem:s11], [sflag:$0x1] =	stream.indirect.gather [hbm4b:s4+s5], $0x80, s10, s5, $0xb8;
	[tilespmem:$0x1DE20] =	vst v63  }
0x74: {  	_ =	swait.ge [sflag:s6], $0x2800  }
0x75: {  	[sflag:s6] =	ssyncset.done $0x0  }
0x76: {  	[sflag:s6] =	ssyncadd.s32 $0xFFFFD800  }
0x77: {  	[spmem:s2] =	stream.indirect.scatter.add.f32 [tilespmem:s11], [sflag:$0x2], $0x80, s9, s5, $0xb8;
	[tilespmem:$0x1DE20] =	vst v63  }
0x78: {  	_ =	swait.ge [sflag:s31], $0x2800  }
0x79: {  	[sflag:s31] =	ssyncset.done $0x0  }
0x7a: {  	[sflag:s31] =	ssyncadd.s32 $0xFFFFD800  }
0x7b: {  	[bflag:$0x0] =	sbarrier.arrive $0xFFFF  }
0x7c: {  	[tilespmem:s0], [sflag:$0x2] =	stream.linear.gather [spmem:s8], $0x4000, $0x38;
	[tilespmem:$0x1DE20] =	vst v63  }
0x7d: {  	_ =	swait.ge [sflag:s31], $0x4000  }
0x7e: {  	[sflag:s31] =	ssyncset.done $0x0  }
0x7f: {  	[sflag:s31] =	ssyncadd.s32 $0xFFFFC000  }
0x80: {  	[hbm4b:s21+s3] =	stream.linear.scatter [tilespmem:s0], [sflag:$0x2], $0x4000, $0x38;
	[tilespmem:$0x1DE20] =	vst v63  }
0x81: {  	_ =	swait.ge [sflag:s31], $0x4000  }
0x82: {  	[sflag:s31] =	ssyncset.done $0x0  }
0x83: {  	[sflag:s31] =	ssyncadd.s32 $0xFFFFC000  }
0x84: {  	[tilespmem:s0], [sflag:$0x2] =	stream.linear.gather [spmem:s26], $0x4000, $0x38;
	[tilespmem:$0x1DE20] =	vst v63  }
0x85: {  	_ =	swait.ge [sflag:s31], $0x4000  }
0x86: {  	[sflag:s31] =	ssyncset.done $0x0  }
0x87: {  	[sflag:s31] =	ssyncadd.s32 $0xFFFFC000  }
0x88: {  	[hbm4b:s22+s3] =	stream.linear.scatter [tilespmem:s0], [sflag:$0x2], $0x4000, $0x38;
	[tilespmem:$0x1DE20] =	vst v63  }
0x89: {  	_ =	swait.ge [sflag:s31], $0x4000  }
0x8a: {  	[sflag:s31] =	ssyncset.done $0x0  }
0x8b: {  	[sflag:s31] =	ssyncadd.s32 $0xFFFFC000  }
0x8c: {  	[tilespmem:s0], [sflag:$0x2] =	stream.linear.gather [spmem:s28], $0x4000, $0x38;
	[tilespmem:$0x1DE20] =	vst v63  }
0x8d: {  	_ =	swait.ge [sflag:s31], $0x4000  }
0x8e: {  	[sflag:s31] =	ssyncset.done $0x0  }
0x8f: {  	[sflag:s31] =	ssyncadd.s32 $0xFFFFC000  }
0x90: {  	[hbm4b:s23+s3] =	stream.linear.scatter [tilespmem:s0], [sflag:$0x2], $0x4000, $0x38;
	[tilespmem:$0x1DE20] =	vst v63  }
0x91: {  	_ =	swait.ge [sflag:s31], $0x4000  }
0x92: {  	[sflag:s31] =	ssyncset.done $0x0  }
0x93: {  	[sflag:s31] =	ssyncadd.s32 $0xFFFFC000  }
0x94: {  	[tilespmem:s0], [sflag:$0x2] =	stream.linear.gather [spmem:s29], $0x4000, $0x38;
	[tilespmem:$0x1DE20] =	vst v63  }
0x95: {  	_ =	swait.ge [sflag:s31], $0x4000  }
0x96: {  	[sflag:s31] =	ssyncset.done $0x0  }
0x97: {  	[sflag:s31] =	ssyncadd.s32 $0xFFFFC000  }
0x98: {  	[hbm4b:s24+s3] =	stream.linear.scatter [tilespmem:s0], [sflag:$0x2], $0x4000, $0x38;
	[tilespmem:$0x1DE20] =	vst v63  }
0x99: {  	_ =	swait.ge [sflag:s31], $0x4000  }
0x9a: {  	[sflag:s31] =	ssyncset.done $0x0  }
0x9b: {  	[sflag:s31] =	ssyncadd.s32 $0xFFFFC000  }
0x9c: {  	[tilespmem:s0], [sflag:$0x2] =	stream.linear.gather [spmem:s20], $0x4000, $0x38;
	[tilespmem:$0x1DE20] =	vst v63  }
0x9d: {  	_ =	swait.ge [sflag:s31], $0x4000  }
0x9e: {  	[sflag:s31] =	ssyncset.done $0x0  }
0x9f: {  	[sflag:s31] =	ssyncadd.s32 $0xFFFFC000  }
0xa0: {  	[hbm4b:s25+s3] =	stream.linear.scatter [tilespmem:s0], [sflag:$0x2], $0x4000, $0x38;
	[tilespmem:$0x1DE20] =	vst v63  }
0xa1: {  	_ =	swait.ge [sflag:s31], $0x4000  }
0xa2: {  	s7 =	sadd.s32 $0x1, s7;
	s14 =	rddreg [dreg:$0x7]  }
0xa3: {  	p1 =	sne.s32 s7, s14  }
.Ltmp1:
0xa4: {  	_ = 	snop;
	(pc) =	sbr.rel @p1 .LBB2_1-.Ltmp1, $3  }
0xa5: {  	_ =	sdelay $0x1  }
0xa6: {  	[sflag:s31] =	ssyncset.done $0x0  }
0xa7: {  	[sflag:s31] =	ssyncadd.s32 $0xFFFFC000  }
0xa8: {  	_ =	sfence.sel $0x180000  }
0xa9: {  	[bflag:$0x0] =	sbarrier.arrive $0xFFFF  }
0xaa: {  	_ =	strace $0x9000004D  }
0xab: {  	s0 =	stileid.u32;
	[bflag:$0x2] =	sbarrier.arrive $0xFFFF  }
0xac: {  	p0 =	sne.s32 s0, $0x0;
	s0 =	rddreg [dreg:$0x3]  }
0xad: {  	s0 =	sadd.s32 @!p0 $0x100000, s0  }
0xae: {  	[sflag:s0] =	ssyncadd.tile.s32 @!p0 $0x1;
	_ =	shalt  }
.Lfunc_end2:
_tile_overlayer_lowered:
.L_overlay_start_2:
0xaf: {  	(tag) =	ssettag $0x2  }
0xb0: {  	s0 =	rddreg [dreg:$0x0];
	s2 =	stileid.u32  }
0xb1: {  	s1 =	rddreg [dreg:$0x1];
	p0 =	sne.s32 s2, $0x0  }
0xb2: {  	s3 =	rddreg [dreg:$0x2];
	[bflag:$0x3] =	sbarrier.arrive $0xFFFF;
	s2 =	simm.s32 @!p0 $0x1C02  }
0xb3: {  	[timem:s3], [sflag:s2] =	dma.local @!p0 [hbm:s0], s1  }
0xb4: {  	s0 =	simm.s32 @!p0 $0x2  }
0xb5: {  	_ =	swait.ge @!p0 [sflag:s0], s1  }
0xb6: {  	s1 =	ssub.s32 @!p0 $0x0, s1;
	[sflag:s0] =	ssyncset.done @!p0 $0x0  }
0xb7: {  	[sflag:s0] =	ssyncadd.s32 @!p0 s1  }
0xb8: {  	[bflag:$0x3] =	sbarrier.arrive $0xFFFF  }
0xb9: {  	_ =	shalt  }

// kernel: kernel.8.cloned.1.call-start
scs
__scs_entry_jumppad:
0x0: {  	(pc) =	sbr.rel $0x88, $3  }
0x1: {  	(tag) =	ssettag $0x0;
	lr =	simm.s32 $0x1  }
0x2: {  	[smem:$0x3F99] =	sst lr;
	_ =	strace $0xD0000000  }
0x3: {  	_ = 	snop  }
0x4: {  	_ = 	snop  }
0x5: {  	_ = 	snop  }
0x6: {  	_ = 	snop  }
0x7: {  	_ = 	snop  }
__scs_overlays_trampoline_lowered:
0x8: {  	[smem:$0x3FA8] =	sst s0  }
0x9: {  	[smem:$0x3FA9] =	sst s1  }
0xa: {  	[smem:$0x3FAA] =	sst s2  }
0xb: {  	[smem:$0x3FAB] =	sst s3  }
0xc: {  	[smem:$0x3FAC] =	sst s4  }
0xd: {  	[smem:$0x3FAD] =	sst s5  }
0xe: {  	[smem:$0x3FAE] =	sst s6  }
0xf: {  	[smem:$0x3FAF] =	sst s7  }
0x10: {  	[smem:$0x3FB0] =	sst s8  }
0x11: {  	[smem:$0x3FB1] =	sst s9;
	s0 =	simm.s32 @!p0 $0x0  }
0x12: {  	s1 =	sld [smem:$0x3F97];
	s0 =	simm.s32 @p0 $0x1  }
0x13: {  	[smem:$0x3FB2] =	sst s0;
	s0 =	simm.s32 @!p1 $0x0  }
0x14: {  	s2 =	sld [smem:$0x3F96];
	s0 =	simm.s32 @p1 $0x1  }
0x15: {  	[smem:$0x3FB3] =	sst s0;
	s0 =	simm.s32 @!p2 $0x0  }
0x16: {  	s3 =	sld [smem:$0x3FDB];
	s0 =	simm.s32 @p2 $0x1  }
0x17: {  	s4 =	simm.s32 $0x1BF5;
	[smem:$0x3FB5] =	sst s0  }
0x18: {  	s0 =	sld [smem:$0x3F98];
	_ =	swait.ge [sflag:s4], $0x0  }
0x19: {  	s7 =	sld [smem:$0x3F99]  }
0x1a: {  	s8 =	sadd.s32 $0xFFFFE003, lr  }
0x1b: {  	s9 =	sadd.s32 $0xFFFFFEF7, lr;
	s5 =	simm.s32 $0xFFFFFFFF;
	p2 =	slt.u32 s8, $0xFFFFF086  }
0x1c: {  	p1 =	slt.u32 s9, $0xF7A;
	s5 =	simm.s32 @!p2 $0x0  }
0x1d: {  	s5 =	simm.s32 @p1 $0x1;
	p0 =	seq.s32 s7, s2  }
0x1e: {  	s7 =	smul.u32 @!p0 $0xF7A, s2;
	p2 =	seq.s32 @!p0 s5, $0x0  }
0x1f: {  	s9 =	smul.u32 $0xF7A, s1;
	s8 =	simm.s32 @!p0 $0x1BF5;
	p2 =	por !p2, p0  }
0x20: {  	[sflag:s8] =	ssyncset.s32 @!p0 $0xFFFFF086;
	s6 =	sadd.s32 @!p0 s3, s7;
	s7 =	simm.s32 @!p0 $0x108  }
0x21: {  	s3 =	sadd.s32 s3, s9;
	s6 =	sadd.s32 @!p0 $0x88, s6;
	s7 =	simm.s32 @p2 $0x1082  }
0x22: {  	[simem:s7], [sflag:s8] =	dma.local @!p0 [hbm:s6], $0xF7A  }
0x23: {  	s9 =	sor.u32 $0xD0000000, s2;
	s6 =	simm.s32 $0x108;
	_ =	swait.ge @!p0 [sflag:s8], $0x0  }
0x24: {  	s3 =	sadd.s32 $0x88, s3;
	s6 =	simm.s32 @!p1 $0x1082;
	[sflag:s4] =	ssyncset.s32 $0xFFFFF086  }
0x25: {  	[simem:s6], [sflag:s4] =	dma.local [hbm:s3], $0xF7A  }
0x26: {  	[smem:$0x3F99] =	sst s1;
	(tag) =	ssettag s2;
	_ =	strace s9  }
0x27: {  	s1 =	sld [smem:$0x3FA9]  }
0x28: {  	s2 =	sld [smem:$0x3FAA]  }
0x29: {  	s4 =	sld [smem:$0x3FAC]  }
0x2a: {  	p0 =	seq.s32 s5, $0x0;
	s5 =	sld [smem:$0x3FAD]  }
0x2b: {  	s6 =	sld [smem:$0x3FAE]  }
0x2c: {  	s7 =	sld [smem:$0x3FAF]  }
0x2d: {  	s3 =	simm.s32 $0x108;
	s8 =	sld [smem:$0x3FB0]  }
0x2e: {  	s3 =	simm.s32 @!p0 $0x1082;
	s9 =	sld [smem:$0x3FB1]  }
0x2f: {  	lr =	sadd.s32 s0, s3;
	s0 =	sld [smem:$0x3FA8]  }
0x30: {  	s3 =	sld [smem:$0x3FAB]  }
0x31: {  	[smem:$0x3FB4] =	sst s10  }
0x32: {  	s10 =	sld [smem:$0x3FB2];
	_ =	sdelay $0x3  }
0x33: {  	p0 =	seq.s32 s10, $0x1;
	s10 =	sld [smem:$0x3FB4];
	_ =	sdelay $0x3  }
0x34: {  	[smem:$0x3FB4] =	sst s10  }
0x35: {  	s10 =	sld [smem:$0x3FB3];
	_ =	sdelay $0x3  }
0x36: {  	p1 =	seq.s32 s10, $0x1;
	s10 =	sld [smem:$0x3FB4];
	_ =	sdelay $0x3  }
0x37: {  	[smem:$0x3FB4] =	sst s10  }
0x38: {  	s10 =	sld [smem:$0x3FB5]  }
0x39: {  	_ = 	snop;
	(pc) =	sbr.ind lr, $3  }
0x3a: {  	_ = 	snop  }
0x3b: {  	_ = 	snop  }
0x3c: {  	p2 =	seq.s32 s10, $0x1;
	s10 =	sld [smem:$0x3FB4]  }
0x3d: {  	_ =	shalt  }
0x3e: {  	_ =	shalt  }
0x3f: {  	_ =	shalt  }
0x40: {  	_ =	shalt  }
0x41: {  	_ =	shalt  }
0x42: {  	_ =	shalt  }
0x43: {  	_ =	shalt  }
0x44: {  	_ =	shalt  }
0x45: {  	_ =	shalt  }
0x46: {  	_ =	shalt  }
0x47: {  	_ =	shalt  }
0x48: {  	_ =	shalt  }
0x49: {  	_ =	shalt  }
0x4a: {  	_ =	shalt  }
0x4b: {  	_ =	shalt  }
0x4c: {  	_ =	shalt  }
0x4d: {  	_ =	shalt  }
0x4e: {  	_ =	shalt  }
0x4f: {  	_ =	shalt  }
0x50: {  	_ =	shalt  }
0x51: {  	_ =	shalt  }
0x52: {  	_ =	shalt  }
0x53: {  	_ =	shalt  }
0x54: {  	_ =	shalt  }
0x55: {  	_ =	shalt  }
0x56: {  	_ =	shalt  }
0x57: {  	_ =	shalt  }
0x58: {  	_ =	shalt  }
0x59: {  	_ =	shalt  }
0x5a: {  	_ =	shalt  }
0x5b: {  	_ =	shalt  }
0x5c: {  	_ =	shalt  }
0x5d: {  	_ =	shalt  }
0x5e: {  	_ =	shalt  }
0x5f: {  	_ =	shalt  }
0x60: {  	_ =	shalt  }
0x61: {  	_ =	shalt  }
0x62: {  	_ =	shalt  }
0x63: {  	_ =	shalt  }
0x64: {  	_ =	shalt  }
0x65: {  	_ =	shalt  }
0x66: {  	_ =	shalt  }
0x67: {  	_ =	shalt  }
0x68: {  	_ =	shalt  }
0x69: {  	_ =	shalt  }
0x6a: {  	_ =	shalt  }
0x6b: {  	_ =	shalt  }
0x6c: {  	_ =	shalt  }
0x6d: {  	_ =	shalt  }
0x6e: {  	_ =	shalt  }
0x6f: {  	_ =	shalt  }
0x70: {  	_ =	shalt  }
0x71: {  	_ =	shalt  }
0x72: {  	_ =	shalt  }
0x73: {  	_ =	shalt  }
0x74: {  	_ =	shalt  }
0x75: {  	_ =	shalt  }
0x76: {  	_ =	shalt  }
0x77: {  	_ =	shalt  }
0x78: {  	_ =	shalt  }
0x79: {  	_ =	shalt  }
0x7a: {  	_ =	shalt  }
0x7b: {  	_ =	shalt  }
0x7c: {  	_ =	shalt  }
0x7d: {  	_ =	shalt  }
0x7e: {  	_ =	shalt  }
0x7f: {  	_ =	shalt  }
0x80: {  	_ =	shalt  }
0x81: {  	_ =	shalt  }
0x82: {  	_ =	shalt  }
0x83: {  	_ =	shalt  }
0x84: {  	_ =	shalt  }
0x85: {  	_ =	shalt  }
0x86: {  	_ =	shalt  }
0x87: {  	_ =	shalt  }
.Lfunc_end0:
.L_simem_size_0:
called_computation_lowered:
.L_overlay_start_0:
0x88: {  	s2 =	sld [smem:$0x3FD9]  }
0x89: {  	s3 =	sld [smem:$0x3FFE];
	_ =	sdelay $0x1  }
0x8a: {  	s1 =	srdreg.scid  }
0x8b: {  	s0 =	sand.u32 $0x1, s1  }
0x8c: {  	s16 =	sshll.u32 s0, $0xA;
	s2 =	sadd.s32 s3, s2  }
0x8d: {  	s2 =	sadd.s32 s2, s16  }
0x8e: {  	[smem:$0x3FC0] =	sst s2  }
0x8f: {  	_ = 	snop  }
0x90: {  	(tm) =	ssettm $0x1  }
0x91: {  	s17 =	sld [smem:$0x3FFB];
	_ =	sdelay $0x3  }
0x92: {  	_ =	strace s17  }
0x93: {  	s2 =	sld [smem:$0x3FFC];
	_ =	sdelay $0x3  }
0x94: {  	_ =	strace s2  }
0x95: {  	s2 =	sld [smem:$0x3FFD];
	_ =	sdelay $0x3  }
0x96: {  	_ =	strace s2  }
0x97: {  	_ =	strace $0x8FFFFFFF  }
0x98: {  	s18 =	sld [smem:$0x3FDB];
	_ =	sdelay $0x1  }
0x99: {  	s19 =	simm.s32 $_scs_section_size  }
0x9a: {  	s4 =	simm.s32 $_size__tile_overlayer_lowered;
	s5 =	simm.s32 $_tile_overlayer_lowered  }
0x9b: {  	s22 =	simm.s32 $0x1BFF;
	s21 =	sshll.u32 s5, $0x1;
	s2 =	sadd.s32 s19, s18  }
0x9c: {  	s6 =	simm.s32 $0x0;
	s20 =	sshll.u32 s4, $0x1;
	s4 =	sadd.s32 s21, s2  }
0x9d: {  	[timem:s6], [sflag:s22] =	dma.local [hbm:s4], s20  }
0x9e: {  	_ =	swait.ge [sflag:s22], s20  }
0x9f: {  	s3 =	ssub.s32 $0x0, s20;
	[sflag:s22] =	ssyncset.done $0x0  }
0xa0: {  	[sflag:s22] =	ssyncadd.s32 s3;
	_ =	sdelay $0x1  }
0xa1: {  	s23 =	simm.s32 $0x1B8B  }
0xa2: {  	_ =	swait.ge [sflag:s23], $0x1  }
0xa3: {  	[sflag:s23] =	ssyncset.done $0x0  }
0xa4: {  	s25 =	simm.s32 $0x1B8E;
	s24 =	sld [smem:$0x3FFE];
	[sflag:s23] =	ssyncadd.s32 $0xFFFFFFFF  }
0xa5: {  	s26 =	simm.s32 $execute0_lowered;
	[smem:$0x3FD2] =	sst s25  }
0xa6: {  	s4 =	sshll.u32 s26, $0x1;
	_ =	strace $0x80000046;
	[dreg:$0x1] =	wrdreg $0xFFFFFFFF  }
0xa7: {  	s28 =	simm.s32 $_size_execute0_lowered;
	s2 =	sadd.s32 s2, s4;
	[dreg:$0x0] =	wrdreg $0x0  }
0xa8: {  	s4 =	sshll.u32 s28, $0x1;
	[dreg:$0x2] =	wrdreg s2  }
0xa9: {  	[dreg:$0x3] =	wrdreg s4  }
0xaa: {  	[dreg:$0x4] =	wrdreg $0xC0  }
0xab: {  	_ =	task [dreg:s6], $0x5FFFF  }
0xac: {  	[dreg:$0x1] =	wrdreg $0xFFFFFFFF  }
0xad: {  	[dreg:$0x0] =	wrdreg $0x60  }
0xae: {  	[dreg:$0x2] =	wrdreg s24  }
0xaf: {  	[dreg:$0x3] =	wrdreg $0x9  }
0xb0: {  	_ =	task.clear_ibuf [dreg:s6], $0x4FFFF;
	_ =	strace $0x90000046  }
0xb1: {  	s29 =	simm.s32 $0x9;
	_ =	strace $0x80000048  }
0xb2: {  	_ =	swait.ge [sflag:s29], $0x1  }
0xb3: {  	[sflag:s29] =	ssyncadd.s32 $0xFFFFFFFF  }
0xb4: {  	_ =	strace $0x90000048  }
0xb5: {  	_ =	sfence  }
0xb6: {  	s30 =	sld [smem:$0x0];
	_ =	sdelay $0x2  }
0xb7: {  	s31 =	sshll.u32 s1, $0xD;
	s1 =	sshrl.u32 s1, $0x2  }
0xb8: {  	s3 =	sand.u32 $0x4000, s31;
	s1 =	sadd.s32 s1, s30  }
0xb9: {  	s0 =	sor.u32 s3, s0;
	s1 =	sshll.u32 s1, $0x11  }
0xba: {  	s0 =	sor.u32 s1, s0  }
0xbb: {  	s0 =	sadd.s32 $0x8F2B, s0  }
0xbc: {  	[sflag:s0] =	ssyncadd.remote.s32 $0x1  }
0xbd: {  	_ =	sfence.sel $0xFFFF  }
0xbe: {  	[dreg:$0x0] =	wrdreg $0xFFFFFFFF;
	(pc) =	sbr.abs _section_cstart, $3  }
0xbf: {  	[dreg:$0x1] =	wrdreg $0xFFFFFFFF  }
0xc0: {  	_ =	task.clear_ibuf [dreg:s6], $0x2FFFF;
	_ =	strace $0x9FFFFFFF  }
0xc1: {  	(tm) =	ssettm $0x7FFFFFFF  }
tec
execute0_lowered:
.L_overlay_start_1:
0x0: {  	(tag) =	ssettag $0x1  }
0x1: {  	s0 =	srdreg.scid;
	s4 =	rddreg [dreg:$0x0]  }
0x2: {  	s1 =	stileid.u32;
	s2 =	simm.s32 $0x0;
	s3 =	sand.u32 $0x1, s0  }
0x3: {  	s8 =	simm.s32 $0x0;
	s0 =	rddreg [dreg:$0x1];
	s5 =	sshll.u32 s3, $0x4  }
0x4: {  	[smem:$0x7FF] =	sst s2;
	s3 =	ssub.s32 $0x2, s3;
	s5 =	sor.u32 s1, s5  }
0x5: {  	s7 =	sshrl.u32 s3, $0x1;
	s6 =	smul.u32 $0x4E2, s5;
	s5 =	sshll.u32 s5, $0xB  }
0x6: {  	_ =	strace $0x80000047;
	s31 =	ssub.s32 s3, s7;
	s5 =	sadd.s32 s5, s4  }
0x7: {  	s7 =	simm.s32 $0x1;
	s4 =	sadd.s32 s6, s4;
	s3 =	sadd.s32 $0xC000, s5  }
0x8: {  	v0 =	vimm.f32 $0.0e+00;
	s5 =	smax.u32 s31, $0x1;
	s6 =	simm.s32 $0x2780;
	s4 =	sadd.s32 $0x1C000, s4  }
.LBB2_1:
0x9: {  	[tilespmem:s6], [sflag:$0x1] =	stream.linear.gather [hbm4b:s3+s2], $0x3E80, $0x38;
	[tilespmem:$0x6780] =	vst v63  }
0xa: {  	_ =	swait.ge [sflag:s7], $0x3E80  }
0xb: {  	[sflag:s7] =	ssyncset.done $0x0  }
0xc: {  	s9 =	simm.s32 $0x0;
	[sflag:s7] =	ssyncadd.s32 $0xFFFFC180  }
.LBB2_2:
0xd: {  	p0 =	sne.s32 s9, $0x9C00  }
.Ltmp0:
0xe: {  	_ = 	snop;
	(pc) =	sbr.rel @p0 .LBB2_2-.Ltmp0, $3  }
0xf: {  	_ =	sdelay $0x1  }
0x10: {  	s10 =	sshra.s32 s9, $0x2  }
0x11: {  	s9 =	sadd.s32 $0x40, s9;
	[tilespmem:s10+$0x0] =	vst v0  }
0x12: {  	s9 =	simm.s32 $0x0  }
.LBB2_4:
0x13: {  	s10 =	sshra.s32 s9, $0x2  }
0x14: {  	v1 =	vld [tilespmem:s10+$0x2780];
	_ =	sdelay $0x4  }
0x15: {  	(xrf1) =	vunique.msk.u32 $0xffff, v1;
	_ =	sdelay $0xd  }
0x16: {  	_, v2, vm0 =	vpop (xrf1);
	_ =	sdelay $0x3  }
0x17: {  	v2 =	vcvt.s32.f32 v2;
	_ =	sdelay $0x1  }
0x18: {  	[tilespmem:v1+s2+$0x0] =	vst.idx.add.f32.msk vm0, v2  }
0x19: {  	v1 =	vld [tilespmem:s10+$0x2790];
	_ =	sdelay $0x4  }
0x1a: {  	(xrf1) =	vunique.msk.u32 $0xffff, v1;
	_ =	sdelay $0xd  }
0x1b: {  	_, v2, vm0 =	vpop (xrf1);
	_ =	sdelay $0x3  }
0x1c: {  	v2 =	vcvt.s32.f32 v2;
	_ =	sdelay $0x1  }
0x1d: {  	[tilespmem:v1+s2+$0x0] =	vst.idx.add.f32.msk vm0, v2  }
0x1e: {  	v1 =	vld [tilespmem:s10+$0x27A0];
	_ =	sdelay $0x4  }
0x1f: {  	(xrf1) =	vunique.msk.u32 $0xffff, v1;
	_ =	sdelay $0xd  }
0x20: {  	_, v2, vm0 =	vpop (xrf1);
	_ =	sdelay $0x3  }
0x21: {  	v2 =	vcvt.s32.f32 v2;
	_ =	sdelay $0x1  }
0x22: {  	[tilespmem:v1+s2+$0x0] =	vst.idx.add.f32.msk vm0, v2  }
0x23: {  	v1 =	vld [tilespmem:s10+$0x27B0];
	_ =	sdelay $0x4  }
0x24: {  	(xrf1) =	vunique.msk.u32 $0xffff, v1;
	_ =	sdelay $0xd  }
0x25: {  	_, v2, vm0 =	vpop (xrf1);
	_ =	sdelay $0x3  }
0x26: {  	v2 =	vcvt.s32.f32 v2;
	_ =	sdelay $0x1  }
0x27: {  	[tilespmem:v1+s2+$0x0] =	vst.idx.add.f32.msk vm0, v2  }
0x28: {  	v1 =	vld [tilespmem:s10+$0x27C0];
	_ =	sdelay $0x4  }
0x29: {  	(xrf1) =	vunique.msk.u32 $0xffff, v1;
	_ =	sdelay $0xd  }
0x2a: {  	_, v2, vm0 =	vpop (xrf1)  }
0x2b: {  	p0 =	sne.s32 s9, $0xF800  }
.Ltmp1:
0x2c: {  	_ = 	snop;
	(pc) =	sbr.rel @p0 .LBB2_4-.Ltmp1, $3  }
0x2d: {  	_ = 	snop  }
0x2e: {  	v2 =	vcvt.s32.f32 v2;
	_ =	sdelay $0x1  }
0x2f: {  	s9 =	sadd.s32 $0x200, s9;
	[tilespmem:v1+s2+$0x0] =	vst.idx.add.f32.msk vm0, v2  }
0x30: {  	s8 =	sadd.s32 $0x1, s8  }
0x31: {  	p0 =	sne.s32 s8, s5  }
.Ltmp2:
0x32: {  	_ = 	snop;
	(pc) =	sbr.rel @p0 .LBB2_1-.Ltmp2, $4  }
0x33: {  	[hbm4b:s4+s2] =	stream.linear.scatter [tilespmem:s2], [sflag:$0x1], $0x2710, $0x38;
	[tilespmem:$0x6780] =	vst v63  }
0x34: {  	_ =	swait.ge [sflag:s7], $0x2710  }
0x35: {  	[sflag:s7] =	ssyncset.done $0x0  }
0x36: {  	[sflag:s7] =	ssyncadd.s32 $0xFFFFD8F0  }
0x37: {  	_ =	sfence.sel $0x180000  }
0x38: {  	[bflag:$0x0] =	sbarrier.arrive $0xFFFF  }
0x39: {  	p0 =	sne.s32 s1, $0x0;
	_ =	strace $0x90000047  }
0x3a: {  	s0 =	sadd.s32 @!p0 $0x100000, s0;
	[bflag:$0x2] =	sbarrier.arrive $0xFFFF  }
0x3b: {  	[sflag:s0] =	ssyncadd.tile.s32 @!p0 $0x1;
	_ =	shalt  }
.Lfunc_end2:
_tile_overlayer_lowered:
.L_overlay_start_2:
0x3c: {  	(tag) =	ssettag $0x2  }
0x3d: {  	s0 =	rddreg [dreg:$0x0];
	s2 =	stileid.u32  }
0x3e: {  	s1 =	rddreg [dreg:$0x1];
	p0 =	sne.s32 s2, $0x0  }
0x3f: {  	s3 =	rddreg [dreg:$0x2];
	[bflag:$0x3] =	sbarrier.arrive $0xFFFF;
	s2 =	simm.s32 @!p0 $0x1C01  }
0x40: {  	[timem:s3], [sflag:s2] =	dma.local @!p0 [hbm:s0], s1  }
0x41: {  	s0 =	simm.s32 @!p0 $0x1  }
0x42: {  	_ =	swait.ge @!p0 [sflag:s0], s1  }
0x43: {  	s1 =	ssub.s32 @!p0 $0x0, s1;
	[sflag:s0] =	ssyncset.done @!p0 $0x0  }
0x44: {  	[sflag:s0] =	ssyncadd.s32 @!p0 s1  }
0x45: {  	[bflag:$0x3] =	sbarrier.arrive $0xFFFF  }
0x46: {  	_ =	shalt  }

</sc_bundles>
